<compile_context>
chip_gen: v7x
topology: tpu7x:2x2x1
jax: 0.10.2.dev20260603
libtpu: 0.0.44.dev20260713+nightly
codegen_flags: <defaults>
</compile_context>

<pallas_src>
import functools

import jax
import jax.numpy as jnp
from jax import lax
from jax.experimental import pallas as pl
from jax.experimental.pallas import tpu as pltpu
from jax.experimental.pallas import tpu_sc as plsc

VOCAB = 1000000
EMB = 64
SEQ = 200
BATCH = 4096

NC = 2
NS = 16
NW = NC * NS
B_PER_W = BATCH // NW

CHUNK0 = 128
CHUNK1 = SEQ - CHUNK0


def _gather_start(table_hbm, idx_t, rows_v, sem, j, buf):
    pltpu.make_async_copy(
        table_hbm.at[idx_t.at[j, pl.ds(0, CHUNK0)]],
        rows_v.at[buf, pl.ds(0, CHUNK0), :],
        sem.at[buf],
    ).start()
    pltpu.make_async_copy(
        table_hbm.at[idx_t.at[j, pl.ds(CHUNK0, CHUNK1)]],
        rows_v.at[buf, pl.ds(CHUNK0, CHUNK1), :],
        sem.at[buf],
    ).start()


def _gather_wait(table_hbm, idx_t, rows_v, sem, j, buf):
    pltpu.make_async_copy(
        table_hbm.at[idx_t.at[j, pl.ds(0, CHUNK0)]],
        rows_v.at[buf, pl.ds(0, CHUNK0), :],
        sem.at[buf],
    ).wait()
    pltpu.make_async_copy(
        table_hbm.at[idx_t.at[j, pl.ds(CHUNK0, CHUNK1)]],
        rows_v.at[buf, pl.ds(CHUNK0, CHUNK1), :],
        sem.at[buf],
    ).wait()


def _accumulate(rows_v, acc_v, j, buf):
    def body(l, carry):
        a0, a1, a2, a3 = carry
        a0 = a0 + rows_v[buf, l, pl.ds(0, 16)]
        a1 = a1 + rows_v[buf, l, pl.ds(16, 16)]
        a2 = a2 + rows_v[buf, l, pl.ds(32, 16)]
        a3 = a3 + rows_v[buf, l, pl.ds(48, 16)]
        return (a0, a1, a2, a3)

    z = jnp.zeros((16,), jnp.float32)
    a0, a1, a2, a3 = lax.fori_loop(0, SEQ, body, (z, z, z, z), unroll=4)
    acc_v[j, pl.ds(0, 16)] = a0
    acc_v[j, pl.ds(16, 16)] = a1
    acc_v[j, pl.ds(32, 16)] = a2
    acc_v[j, pl.ds(48, 16)] = a3


def _sc_body(xt_hbm, table_hbm, out_hbm, idx_t, rows_v, acc_v, sem):
    wid = lax.axis_index("s") * NC + lax.axis_index("c")
    base = wid * B_PER_W

    pltpu.sync_copy(xt_hbm.at[pl.ds(base, B_PER_W), :], idx_t)

    _gather_start(table_hbm, idx_t, rows_v, sem, 0, 0)
    _gather_start(table_hbm, idx_t, rows_v, sem, 1, 1)

    def step(j0, _):
        _gather_wait(table_hbm, idx_t, rows_v, sem, j0, 0)
        _gather_start(table_hbm, idx_t, rows_v, sem, j0 + 2, 0)
        _accumulate(rows_v, acc_v, j0, 0)
        _gather_wait(table_hbm, idx_t, rows_v, sem, j0 + 1, 1)
        _gather_start(table_hbm, idx_t, rows_v, sem, j0 + 3, 1)
        _accumulate(rows_v, acc_v, j0 + 1, 1)
        return 0

    lax.fori_loop(0, (B_PER_W - 2) // 2, lambda i, c: step(2 * i, c), 0,
                  unroll=1)

    _gather_wait(table_hbm, idx_t, rows_v, sem, B_PER_W - 2, 0)
    _accumulate(rows_v, acc_v, B_PER_W - 2, 0)
    _gather_wait(table_hbm, idx_t, rows_v, sem, B_PER_W - 1, 1)
    _accumulate(rows_v, acc_v, B_PER_W - 1, 1)

    pltpu.sync_copy(acc_v, out_hbm.at[pl.ds(base, B_PER_W), :])


@jax.jit
def _sc_sums(xt, table):
    mesh = plsc.VectorSubcoreMesh(core_axis_name="c", subcore_axis_name="s")
    return pl.kernel(
        _sc_body,
        out_type=jax.ShapeDtypeStruct((BATCH, EMB), jnp.float32),
        mesh=mesh,
        compiler_params=pltpu.CompilerParams(use_tc_tiling_on_sc=False,
                                             needs_layout_passes=False),
        scratch_types=[
            pltpu.VMEM((B_PER_W, SEQ), jnp.int32),
            pltpu.VMEM((2, SEQ, EMB), jnp.float32),
            pltpu.VMEM((B_PER_W, EMB), jnp.float32),
            pltpu.SemaphoreType.DMA((2,)),
        ],
    )(xt, table)


def _tc_body(sums_ref, invlen_ref, w_ref, b_ref, out_ref):
    mean = sums_ref[:] * invlen_ref[:]
    out = lax.dot_general(mean, w_ref[:], (((1,), (1,)), ((), ())),
                          preferred_element_type=jnp.float32)
    out_ref[:] = out + b_ref[:]


@jax.jit
def _tc_linear(sums, lengths, W, b):
    invlen = (1.0 / lengths.astype(jnp.float32))[:, None]
    return pl.pallas_call(
        _tc_body,
        out_shape=jax.ShapeDtypeStruct((BATCH, W.shape[0]), jnp.float32),
    )(sums, invlen, W, b[None, :])


def kernel(x, lengths, table, W, b):
    sums = _sc_sums(x.T, table)
    return _tc_linear(sums, lengths, W, b)

# --- scband reference (transcript-rebuilt; emitter-appended) ---
"""Pipeline reference for scband-base-model-54305566491018 (READ-ONLY COPY).

The authoritative reference and input builder live on the scoring server;
editing this copy changes nothing except your own understanding.
"""

import jax, jax.numpy as jnp
import numpy as np

VOCAB = 1000000
EMB = 64
SEQ = 200
BATCH = 4096
NUM_CLASSES = 2

def setup_inputs(seed: int = 0) -> dict:
    key = jax.random.key(seed)
    k1, k2, k3, k4 = jax.random.split(key, 4)
    # token indices, seq-first layout [L, B] as in the torch forward
    x = jax.random.randint(k1, (SEQ, BATCH), 0, VOCAB, dtype=jnp.int32)
    # lengths per batch element; min 1 to avoid division by zero
    lengths = jax.random.randint(k2, (BATCH,), 1, 200, dtype=jnp.int32)
    # frozen pretrained embedding table (glove_embeddings)
    table = jax.random.normal(k3, (VOCAB, EMB), dtype=jnp.float32)
    # linear layer params
    W = jax.random.normal(k4, (NUM_CLASSES, EMB), dtype=jnp.float32) * 0.05
    b = jnp.zeros((NUM_CLASSES,), dtype=jnp.float32)
    return {"x": x, "lengths": lengths, "table": table, "W": W, "b": b}

def reference(x, lengths, table, W, b):
    # embedding lookup (gather) -> [L, B, EMB]
    embed = jnp.take(table, x, axis=0)
    # sum over sequence dim then divide by per-example length
    mean = jnp.sum(embed, axis=0) / lengths[:, None].astype(jnp.float32)
    # linear layer
    out = mean @ W.T + b
    return out

if __name__ == "__main__":
    import jax
    _d = setup_inputs()
    print(jax.jit(kernel)(*tuple(_d.values())))

</pallas_src>

<mosaic_0001>
#map = affine_map<(d0, d1) -> (0, 0)>
module attributes {stable_mosaic.version = 14 : i64} {
  func.func @_sc_body(%arg0: i32, %arg1: i32, %arg2: memref<4096x200xi32, #tpu.memory_space<hbm>>, %arg3: memref<1000000x64xf32, #tpu.memory_space<hbm>>, %arg4: memref<4096x64xf32, #tpu.memory_space<hbm>>, %arg5: memref<128x200xi32, #tpu.memory_space<vmem>>, %arg6: memref<2x200x64xf32, #tpu.memory_space<vmem>>, %arg7: memref<128x64xf32, #tpu.memory_space<vmem>>, %arg8: memref<2x!tpu.dma_semaphore, #tpu.memory_space<semaphore_mem>>) attributes {dimension_semantics = [#tpu.dimension_semantics<core_parallel>, #tpu.dimension_semantics<subcore_parallel>], iteration_bounds = array<i64: 2, 16>, scalar_prefetch = 0 : i64, scratch_operands = 4 : i64, tpu.core_type = #tpu.core_type<sc_vector_subcore>, window_params = [{transform_indices = #map}, {transform_indices = #map}, {transform_indices = #map}]} {
    %mul3A = arith.constant 2 : i32
    %mul3A_0 = arith.muli %arg1, %mul3A : i32
    %add3A = arith.addi %mul3A_0, %arg0 : i32
    %mul3A_1 = arith.constant 128 : i32
    %mul3A_2 = arith.muli %add3A, %mul3A_1 : i32
    "tpu.region"() ({
      %run_scoped3A = tpu.sem_alloc : memref<!tpu.dma_semaphore, #tpu.memory_space<semaphore_mem>>
      %dma_start3A_173 = arith.constant 0 : i32
      %dma_start3A_174 = tpu.memref_slice %arg2[%mul3A_2, %dma_start3A_173] : memref<4096x200xi32, #tpu.memory_space<hbm>> -> memref<128x200xi32, #tpu.memory_space<hbm>>
      %dma_start3A_175 = arith.constant 0 : i32
      %dma_start3A_176 = tpu.memref_slice %arg2[%mul3A_2, %dma_start3A_175] : memref<4096x200xi32, #tpu.memory_space<hbm>> -> memref<128x200xi32, #tpu.memory_space<hbm>>
      tpu.enqueue_dma source(%dma_start3A_176 : memref<128x200xi32, #tpu.memory_space<hbm>>) target(%arg5 : memref<128x200xi32, #tpu.memory_space<vmem>>) target_semaphore(%run_scoped3A : memref<!tpu.dma_semaphore, #tpu.memory_space<semaphore_mem>>)
      %dma_wait3A_177 = arith.constant 0 : i32
      %dma_wait3A_178 = tpu.memref_slice %arg2[%mul3A_2, %dma_wait3A_177] : memref<4096x200xi32, #tpu.memory_space<hbm>> -> memref<128x200xi32, #tpu.memory_space<hbm>>
      %dma_wait3A_179 = arith.constant 0 : i32
      %dma_wait3A_180 = tpu.memref_slice %arg2[%mul3A_2, %dma_wait3A_179] : memref<4096x200xi32, #tpu.memory_space<hbm>> -> memref<128x200xi32, #tpu.memory_space<hbm>>
      tpu.wait_dma2 semaphore(%run_scoped3A : memref<!tpu.dma_semaphore, #tpu.memory_space<semaphore_mem>>) src(%dma_wait3A_180 : memref<128x200xi32, #tpu.memory_space<hbm>>) dst(%arg5 : memref<128x200xi32, #tpu.memory_space<vmem>>)
      tpu.yield
    }) : () -> ()
    %dma_start3A = arith.constant 0 : i32
    %dma_start3A_3 = arith.constant 0 : i32
    %dma_start3A_4 = arith.constant 0 : i32
    %dma_start3A_5 = arith.constant 0 : i32
    %dma_start3A_6 = arith.constant 0 : i32
    %dma_start3A_7 = tpu.memref_slice %arg6[%dma_start3A_3, %dma_start3A_5, %dma_start3A_6] : memref<2x200x64xf32, #tpu.memory_space<vmem>> -> memref<1x128x64xf32, #tpu.memory_space<vmem>>
    %dma_start3A_8 = tpu.memref_squeeze %dma_start3A_7 : memref<1x128x64xf32, #tpu.memory_space<vmem>> -> memref<128x64xf32, #tpu.memory_space<vmem>>
    %dma_start3A_9 = arith.constant 0 : i32
    %dma_start3A_10 = tpu.memref_slice %arg5[%dma_start3A, %dma_start3A_9] : memref<128x200xi32, #tpu.memory_space<vmem>> -> memref<1x128xi32, #tpu.memory_space<vmem>>
    %dma_start3A_11 = tpu.memref_squeeze %dma_start3A_10 : memref<1x128xi32, #tpu.memory_space<vmem>> -> memref<128xi32, #tpu.memory_space<vmem>>
    %dma_start3A_12 = arith.constant 0 : i32
    %dma_start3A_13 = arith.constant 0 : i32
    %dma_start3A_14 = tpu.memref_slice %arg3[%dma_start3A_12, %dma_start3A_13] : memref<1000000x64xf32, #tpu.memory_space<hbm>> -> memref<1000000x64xf32, #tpu.memory_space<hbm>>
    %dma_start3A_15 = tpu.memref_slice %arg8[%dma_start3A_4] : memref<2x!tpu.dma_semaphore, #tpu.memory_space<semaphore_mem>> -> memref<1x!tpu.dma_semaphore, #tpu.memory_space<semaphore_mem>>
    %dma_start3A_16 = tpu.memref_squeeze %dma_start3A_15 : memref<1x!tpu.dma_semaphore, #tpu.memory_space<semaphore_mem>> -> memref<!tpu.dma_semaphore, #tpu.memory_space<semaphore_mem>>
    tpu.enqueue_indirect_dma source(%dma_start3A_14 : memref<1000000x64xf32, #tpu.memory_space<hbm>>) target(%dma_start3A_8 : memref<128x64xf32, #tpu.memory_space<vmem>>) offsets(%dma_start3A_11 : memref<128xi32, #tpu.memory_space<vmem>>) semaphore(%dma_start3A_16 : memref<!tpu.dma_semaphore, #tpu.memory_space<semaphore_mem>>)
    %dma_start3A_17 = arith.constant 0 : i32
    %dma_start3A_18 = arith.constant 0 : i32
    %dma_start3A_19 = arith.constant 0 : i32
    %dma_start3A_20 = arith.constant 128 : i32
    %dma_start3A_21 = arith.constant 0 : i32
    %dma_start3A_22 = tpu.memref_slice %arg6[%dma_start3A_18, %dma_start3A_20, %dma_start3A_21] : memref<2x200x64xf32, #tpu.memory_space<vmem>> -> memref<1x72x64xf32, #tpu.memory_space<vmem>>
    %dma_start3A_23 = tpu.memref_squeeze %dma_start3A_22 : memref<1x72x64xf32, #tpu.memory_space<vmem>> -> memref<72x64xf32, #tpu.memory_space<vmem>>
    %dma_start3A_24 = arith.constant 128 : i32
    %dma_start3A_25 = tpu.memref_slice %arg5[%dma_start3A_17, %dma_start3A_24] : memref<128x200xi32, #tpu.memory_space<vmem>> -> memref<1x72xi32, #tpu.memory_space<vmem>>
    %dma_start3A_26 = tpu.memref_squeeze %dma_start3A_25 : memref<1x72xi32, #tpu.memory_space<vmem>> -> memref<72xi32, #tpu.memory_space<vmem>>
    %dma_start3A_27 = arith.constant 0 : i32
    %dma_start3A_28 = arith.constant 0 : i32
    %dma_start3A_29 = tpu.memref_slice %arg3[%dma_start3A_27, %dma_start3A_28] : memref<1000000x64xf32, #tpu.memory_space<hbm>> -> memref<1000000x64xf32, #tpu.memory_space<hbm>>
    %dma_start3A_30 = tpu.memref_slice %arg8[%dma_start3A_19] : memref<2x!tpu.dma_semaphore, #tpu.memory_space<semaphore_mem>> -> memref<1x!tpu.dma_semaphore, #tpu.memory_space<semaphore_mem>>
    %dma_start3A_31 = tpu.memref_squeeze %dma_start3A_30 : memref<1x!tpu.dma_semaphore, #tpu.memory_space<semaphore_mem>> -> memref<!tpu.dma_semaphore, #tpu.memory_space<semaphore_mem>>
    tpu.enqueue_indirect_dma source(%dma_start3A_29 : memref<1000000x64xf32, #tpu.memory_space<hbm>>) target(%dma_start3A_23 : memref<72x64xf32, #tpu.memory_space<vmem>>) offsets(%dma_start3A_26 : memref<72xi32, #tpu.memory_space<vmem>>) semaphore(%dma_start3A_31 : memref<!tpu.dma_semaphore, #tpu.memory_space<semaphore_mem>>)
    %dma_start3A_32 = arith.constant 1 : i32
    %dma_start3A_33 = arith.constant 1 : i32
    %dma_start3A_34 = arith.constant 1 : i32
    %dma_start3A_35 = arith.constant 0 : i32
    %dma_start3A_36 = arith.constant 0 : i32
    %dma_start3A_37 = tpu.memref_slice %arg6[%dma_start3A_33, %dma_start3A_35, %dma_start3A_36] : memref<2x200x64xf32, #tpu.memory_space<vmem>> -> memref<1x128x64xf32, #tpu.memory_space<vmem>>
    %dma_start3A_38 = tpu.memref_squeeze %dma_start3A_37 : memref<1x128x64xf32, #tpu.memory_space<vmem>> -> memref<128x64xf32, #tpu.memory_space<vmem>>
    %dma_start3A_39 = arith.constant 0 : i32
    %dma_start3A_40 = tpu.memref_slice %arg5[%dma_start3A_32, %dma_start3A_39] : memref<128x200xi32, #tpu.memory_space<vmem>> -> memref<1x128xi32, #tpu.memory_space<vmem>>
    %dma_start3A_41 = tpu.memref_squeeze %dma_start3A_40 : memref<1x128xi32, #tpu.memory_space<vmem>> -> memref<128xi32, #tpu.memory_space<vmem>>
    %dma_start3A_42 = arith.constant 0 : i32
    %dma_start3A_43 = arith.constant 0 : i32
    %dma_start3A_44 = tpu.memref_slice %arg3[%dma_start3A_42, %dma_start3A_43] : memref<1000000x64xf32, #tpu.memory_space<hbm>> -> memref<1000000x64xf32, #tpu.memory_space<hbm>>
    %dma_start3A_45 = tpu.memref_slice %arg8[%dma_start3A_34] : memref<2x!tpu.dma_semaphore, #tpu.memory_space<semaphore_mem>> -> memref<1x!tpu.dma_semaphore, #tpu.memory_space<semaphore_mem>>
    %dma_start3A_46 = tpu.memref_squeeze %dma_start3A_45 : memref<1x!tpu.dma_semaphore, #tpu.memory_space<semaphore_mem>> -> memref<!tpu.dma_semaphore, #tpu.memory_space<semaphore_mem>>
    tpu.enqueue_indirect_dma source(%dma_start3A_44 : memref<1000000x64xf32, #tpu.memory_space<hbm>>) target(%dma_start3A_38 : memref<128x64xf32, #tpu.memory_space<vmem>>) offsets(%dma_start3A_41 : memref<128xi32, #tpu.memory_space<vmem>>) semaphore(%dma_start3A_46 : memref<!tpu.dma_semaphore, #tpu.memory_space<semaphore_mem>>)
    %dma_start3A_47 = arith.constant 1 : i32
    %dma_start3A_48 = arith.constant 1 : i32
    %dma_start3A_49 = arith.constant 1 : i32
    %dma_start3A_50 = arith.constant 128 : i32
    %dma_start3A_51 = arith.constant 0 : i32
    %dma_start3A_52 = tpu.memref_slice %arg6[%dma_start3A_48, %dma_start3A_50, %dma_start3A_51] : memref<2x200x64xf32, #tpu.memory_space<vmem>> -> memref<1x72x64xf32, #tpu.memory_space<vmem>>
    %dma_start3A_53 = tpu.memref_squeeze %dma_start3A_52 : memref<1x72x64xf32, #tpu.memory_space<vmem>> -> memref<72x64xf32, #tpu.memory_space<vmem>>
    %dma_start3A_54 = arith.constant 128 : i32
    %dma_start3A_55 = tpu.memref_slice %arg5[%dma_start3A_47, %dma_start3A_54] : memref<128x200xi32, #tpu.memory_space<vmem>> -> memref<1x72xi32, #tpu.memory_space<vmem>>
    %dma_start3A_56 = tpu.memref_squeeze %dma_start3A_55 : memref<1x72xi32, #tpu.memory_space<vmem>> -> memref<72xi32, #tpu.memory_space<vmem>>
    %dma_start3A_57 = arith.constant 0 : i32
    %dma_start3A_58 = arith.constant 0 : i32
    %dma_start3A_59 = tpu.memref_slice %arg3[%dma_start3A_57, %dma_start3A_58] : memref<1000000x64xf32, #tpu.memory_space<hbm>> -> memref<1000000x64xf32, #tpu.memory_space<hbm>>
    %dma_start3A_60 = tpu.memref_slice %arg8[%dma_start3A_49] : memref<2x!tpu.dma_semaphore, #tpu.memory_space<semaphore_mem>> -> memref<1x!tpu.dma_semaphore, #tpu.memory_space<semaphore_mem>>
    %dma_start3A_61 = tpu.memref_squeeze %dma_start3A_60 : memref<1x!tpu.dma_semaphore, #tpu.memory_space<semaphore_mem>> -> memref<!tpu.dma_semaphore, #tpu.memory_space<semaphore_mem>>
    tpu.enqueue_indirect_dma source(%dma_start3A_59 : memref<1000000x64xf32, #tpu.memory_space<hbm>>) target(%dma_start3A_53 : memref<72x64xf32, #tpu.memory_space<vmem>>) offsets(%dma_start3A_56 : memref<72xi32, #tpu.memory_space<vmem>>) semaphore(%dma_start3A_61 : memref<!tpu.dma_semaphore, #tpu.memory_space<semaphore_mem>>)
    %scan3A = arith.constant 0 : i32
    %scan3A_62 = arith.constant 0 : i32
    %scan3A_63 = arith.constant 63 : i32
    %scan3A_64 = arith.addi %scan3A_62, %scan3A_63 : i32
    %scan3A_65 = arith.constant 1 : i32
    %scan3A_66 = scf.for %scan3A_173 = %scan3A_62 to %scan3A_64 step %scan3A_65 iter_args(%scan3A_174 = %scan3A) -> (i32)  : i32 {
      %mul3A_175 = arith.constant 2 : i32
      %mul3A_176 = arith.muli %mul3A_175, %scan3A_173 : i32
      %dma_wait3A_177 = arith.constant 0 : i32
      %dma_wait3A_178 = arith.constant 0 : i32
      %dma_wait3A_179 = arith.constant 0 : i32
      %dma_wait3A_180 = arith.constant 0 : i32
      %dma_wait3A_181 = tpu.memref_slice %arg6[%dma_wait3A_177, %dma_wait3A_179, %dma_wait3A_180] : memref<2x200x64xf32, #tpu.memory_space<vmem>> -> memref<1x128x64xf32, #tpu.memory_space<vmem>>
      %dma_wait3A_182 = tpu.memref_squeeze %dma_wait3A_181 : memref<1x128x64xf32, #tpu.memory_space<vmem>> -> memref<128x64xf32, #tpu.memory_space<vmem>>
      %dma_wait3A_183 = arith.constant 0 : i32
      %dma_wait3A_184 = tpu.memref_slice %arg5[%mul3A_176, %dma_wait3A_183] : memref<128x200xi32, #tpu.memory_space<vmem>> -> memref<1x128xi32, #tpu.memory_space<vmem>>
      %dma_wait3A_185 = tpu.memref_squeeze %dma_wait3A_184 : memref<1x128xi32, #tpu.memory_space<vmem>> -> memref<128xi32, #tpu.memory_space<vmem>>
      %dma_wait3A_186 = arith.constant 0 : i32
      %dma_wait3A_187 = arith.constant 0 : i32
      %dma_wait3A_188 = tpu.memref_slice %arg3[%dma_wait3A_186, %dma_wait3A_187] : memref<1000000x64xf32, #tpu.memory_space<hbm>> -> memref<1000000x64xf32, #tpu.memory_space<hbm>>
      %dma_wait3A_189 = tpu.memref_slice %arg8[%dma_wait3A_178] : memref<2x!tpu.dma_semaphore, #tpu.memory_space<semaphore_mem>> -> memref<1x!tpu.dma_semaphore, #tpu.memory_space<semaphore_mem>>
      %dma_wait3A_190 = tpu.memref_squeeze %dma_wait3A_189 : memref<1x!tpu.dma_semaphore, #tpu.memory_space<semaphore_mem>> -> memref<!tpu.dma_semaphore, #tpu.memory_space<semaphore_mem>>
      tpu.wait_indirect_dma semaphore(%dma_wait3A_190 : memref<!tpu.dma_semaphore, #tpu.memory_space<semaphore_mem>>) src(%dma_wait3A_188 : memref<1000000x64xf32, #tpu.memory_space<hbm>>) dst(%dma_wait3A_182 : memref<128x64xf32, #tpu.memory_space<vmem>>)
      %dma_wait3A_191 = arith.constant 0 : i32
      %dma_wait3A_192 = arith.constant 0 : i32
      %dma_wait3A_193 = arith.constant 128 : i32
      %dma_wait3A_194 = arith.constant 0 : i32
      %dma_wait3A_195 = tpu.memref_slice %arg6[%dma_wait3A_191, %dma_wait3A_193, %dma_wait3A_194] : memref<2x200x64xf32, #tpu.memory_space<vmem>> -> memref<1x72x64xf32, #tpu.memory_space<vmem>>
      %dma_wait3A_196 = tpu.memref_squeeze %dma_wait3A_195 : memref<1x72x64xf32, #tpu.memory_space<vmem>> -> memref<72x64xf32, #tpu.memory_space<vmem>>
      %dma_wait3A_197 = arith.constant 128 : i32
      %dma_wait3A_198 = tpu.memref_slice %arg5[%mul3A_176, %dma_wait3A_197] : memref<128x200xi32, #tpu.memory_space<vmem>> -> memref<1x72xi32, #tpu.memory_space<vmem>>
      %dma_wait3A_199 = tpu.memref_squeeze %dma_wait3A_198 : memref<1x72xi32, #tpu.memory_space<vmem>> -> memref<72xi32, #tpu.memory_space<vmem>>
      %dma_wait3A_200 = arith.constant 0 : i32
      %dma_wait3A_201 = arith.constant 0 : i32
      %dma_wait3A_202 = tpu.memref_slice %arg3[%dma_wait3A_200, %dma_wait3A_201] : memref<1000000x64xf32, #tpu.memory_space<hbm>> -> memref<1000000x64xf32, #tpu.memory_space<hbm>>
      %dma_wait3A_203 = tpu.memref_slice %arg8[%dma_wait3A_192] : memref<2x!tpu.dma_semaphore, #tpu.memory_space<semaphore_mem>> -> memref<1x!tpu.dma_semaphore, #tpu.memory_space<semaphore_mem>>
      %dma_wait3A_204 = tpu.memref_squeeze %dma_wait3A_203 : memref<1x!tpu.dma_semaphore, #tpu.memory_space<semaphore_mem>> -> memref<!tpu.dma_semaphore, #tpu.memory_space<semaphore_mem>>
      tpu.wait_indirect_dma semaphore(%dma_wait3A_204 : memref<!tpu.dma_semaphore, #tpu.memory_space<semaphore_mem>>) src(%dma_wait3A_202 : memref<1000000x64xf32, #tpu.memory_space<hbm>>) dst(%dma_wait3A_196 : memref<72x64xf32, #tpu.memory_space<vmem>>)
      %add3A_205 = arith.constant 2 : i32
      %add3A_206 = arith.addi %mul3A_176, %add3A_205 : i32
      %dma_start3A_207 = arith.constant 0 : i32
      %dma_start3A_208 = arith.constant 0 : i32
      %dma_start3A_209 = arith.constant 0 : i32
      %dma_start3A_210 = arith.constant 0 : i32
      %dma_start3A_211 = tpu.memref_slice %arg6[%dma_start3A_207, %dma_start3A_209, %dma_start3A_210] : memref<2x200x64xf32, #tpu.memory_space<vmem>> -> memref<1x128x64xf32, #tpu.memory_space<vmem>>
      %dma_start3A_212 = tpu.memref_squeeze %dma_start3A_211 : memref<1x128x64xf32, #tpu.memory_space<vmem>> -> memref<128x64xf32, #tpu.memory_space<vmem>>
      %dma_start3A_213 = arith.constant 0 : i32
      %dma_start3A_214 = tpu.memref_slice %arg5[%add3A_206, %dma_start3A_213] : memref<128x200xi32, #tpu.memory_space<vmem>> -> memref<1x128xi32, #tpu.memory_space<vmem>>
      %dma_start3A_215 = tpu.memref_squeeze %dma_start3A_214 : memref<1x128xi32, #tpu.memory_space<vmem>> -> memref<128xi32, #tpu.memory_space<vmem>>
      %dma_start3A_216 = arith.constant 0 : i32
      %dma_start3A_217 = arith.constant 0 : i32
      %dma_start3A_218 = tpu.memref_slice %arg3[%dma_start3A_216, %dma_start3A_217] : memref<1000000x64xf32, #tpu.memory_space<hbm>> -> memref<1000000x64xf32, #tpu.memory_space<hbm>>
      %dma_start3A_219 = tpu.memref_slice %arg8[%dma_start3A_208] : memref<2x!tpu.dma_semaphore, #tpu.memory_space<semaphore_mem>> -> memref<1x!tpu.dma_semaphore, #tpu.memory_space<semaphore_mem>>
      %dma_start3A_220 = tpu.memref_squeeze %dma_start3A_219 : memref<1x!tpu.dma_semaphore, #tpu.memory_space<semaphore_mem>> -> memref<!tpu.dma_semaphore, #tpu.memory_space<semaphore_mem>>
      tpu.enqueue_indirect_dma source(%dma_start3A_218 : memref<1000000x64xf32, #tpu.memory_space<hbm>>) target(%dma_start3A_212 : memref<128x64xf32, #tpu.memory_space<vmem>>) offsets(%dma_start3A_215 : memref<128xi32, #tpu.memory_space<vmem>>) semaphore(%dma_start3A_220 : memref<!tpu.dma_semaphore, #tpu.memory_space<semaphore_mem>>)
      %dma_start3A_221 = arith.constant 0 : i32
      %dma_start3A_222 = arith.constant 0 : i32
      %dma_start3A_223 = arith.constant 128 : i32
      %dma_start3A_224 = arith.constant 0 : i32
      %dma_start3A_225 = tpu.memref_slice %arg6[%dma_start3A_221, %dma_start3A_223, %dma_start3A_224] : memref<2x200x64xf32, #tpu.memory_space<vmem>> -> memref<1x72x64xf32, #tpu.memory_space<vmem>>
      %dma_start3A_226 = tpu.memref_squeeze %dma_start3A_225 : memref<1x72x64xf32, #tpu.memory_space<vmem>> -> memref<72x64xf32, #tpu.memory_space<vmem>>
      %dma_start3A_227 = arith.constant 128 : i32
      %dma_start3A_228 = tpu.memref_slice %arg5[%add3A_206, %dma_start3A_227] : memref<128x200xi32, #tpu.memory_space<vmem>> -> memref<1x72xi32, #tpu.memory_space<vmem>>
      %dma_start3A_229 = tpu.memref_squeeze %dma_start3A_228 : memref<1x72xi32, #tpu.memory_space<vmem>> -> memref<72xi32, #tpu.memory_space<vmem>>
      %dma_start3A_230 = arith.constant 0 : i32
      %dma_start3A_231 = arith.constant 0 : i32
      %dma_start3A_232 = tpu.memref_slice %arg3[%dma_start3A_230, %dma_start3A_231] : memref<1000000x64xf32, #tpu.memory_space<hbm>> -> memref<1000000x64xf32, #tpu.memory_space<hbm>>
      %dma_start3A_233 = tpu.memref_slice %arg8[%dma_start3A_222] : memref<2x!tpu.dma_semaphore, #tpu.memory_space<semaphore_mem>> -> memref<1x!tpu.dma_semaphore, #tpu.memory_space<semaphore_mem>>
      %dma_start3A_234 = tpu.memref_squeeze %dma_start3A_233 : memref<1x!tpu.dma_semaphore, #tpu.memory_space<semaphore_mem>> -> memref<!tpu.dma_semaphore, #tpu.memory_space<semaphore_mem>>
      tpu.enqueue_indirect_dma source(%dma_start3A_232 : memref<1000000x64xf32, #tpu.memory_space<hbm>>) target(%dma_start3A_226 : memref<72x64xf32, #tpu.memory_space<vmem>>) offsets(%dma_start3A_229 : memref<72xi32, #tpu.memory_space<vmem>>) semaphore(%dma_start3A_234 : memref<!tpu.dma_semaphore, #tpu.memory_space<semaphore_mem>>)
      %broadcast_in_dim3A_235 = arith.constant 0.000000e+00 : f32
      %broadcast_in_dim3A_236 = vector.broadcast %broadcast_in_dim3A_235 : f32 to vector<16xf32>
      %scan3A_237 = arith.constant 0 : i32
      %scan3A_238 = arith.constant 200 : i32
      %scan3A_239 = arith.addi %scan3A_237, %scan3A_238 : i32
      %scan3A_240 = arith.constant 4 : i32
      %scan3A_241:4 = scf.for %scan3A_338 = %scan3A_237 to %scan3A_239 step %scan3A_240 iter_args(%scan3A_339 = %broadcast_in_dim3A_236, %scan3A_340 = %broadcast_in_dim3A_236, %scan3A_341 = %broadcast_in_dim3A_236, %scan3A_342 = %broadcast_in_dim3A_236) -> (vector<16xf32>, vector<16xf32>, vector<16xf32>, vector<16xf32>)  : i32 {
        %get3A = arith.constant 0 : i32
        %get3A_343 = arith.index_cast %get3A : i32 to index
        %get3A_344 = arith.index_cast %scan3A_338 : i32 to index
        %get3A_345 = arith.constant 0 : index
        %get3A_346 = tpu.vector_load %arg6[%get3A_343, %get3A_344, %get3A_345] {strides = array<i32>} : memref<2x200x64xf32, #tpu.memory_space<vmem>>, vector<16xf32>,
        %add3A_347 = arith.addf %scan3A_339, %get3A_346 : vector<16xf32>
        %get3A_348 = arith.constant 0 : i32
        %get3A_349 = arith.index_cast %get3A_348 : i32 to index
        %get3A_350 = arith.index_cast %scan3A_338 : i32 to index
        %get3A_351 = arith.constant 16 : index
        %get3A_352 = tpu.vector_load %arg6[%get3A_349, %get3A_350, %get3A_351] {strides = array<i32>} : memref<2x200x64xf32, #tpu.memory_space<vmem>>, vector<16xf32>,
        %add3A_353 = arith.addf %scan3A_340, %get3A_352 : vector<16xf32>
        %get3A_354 = arith.constant 0 : i32
        %get3A_355 = arith.index_cast %get3A_354 : i32 to index
        %get3A_356 = arith.index_cast %scan3A_338 : i32 to index
        %get3A_357 = arith.constant 32 : index
        %get3A_358 = tpu.vector_load %arg6[%get3A_355, %get3A_356, %get3A_357] {strides = array<i32>} : memref<2x200x64xf32, #tpu.memory_space<vmem>>, vector<16xf32>,
        %add3A_359 = arith.addf %scan3A_341, %get3A_358 : vector<16xf32>
        %get3A_360 = arith.constant 0 : i32
        %get3A_361 = arith.index_cast %get3A_360 : i32 to index
        %get3A_362 = arith.index_cast %scan3A_338 : i32 to index
        %get3A_363 = arith.constant 48 : index
        %get3A_364 = tpu.vector_load %arg6[%get3A_361, %get3A_362, %get3A_363] {strides = array<i32>} : memref<2x200x64xf32, #tpu.memory_space<vmem>>, vector<16xf32>,
        %add3A_365 = arith.addf %scan3A_342, %get3A_364 : vector<16xf32>
        %scan3A_366 = arith.constant 1 : i32
        %scan3A_367 = arith.addi %scan3A_338, %scan3A_366 : i32
        %get3A_368 = arith.constant 0 : i32
        %get3A_369 = arith.index_cast %get3A_368 : i32 to index
        %get3A_370 = arith.index_cast %scan3A_367 : i32 to index
        %get3A_371 = arith.constant 0 : index
        %get3A_372 = tpu.vector_load %arg6[%get3A_369, %get3A_370, %get3A_371] {strides = array<i32>} : memref<2x200x64xf32, #tpu.memory_space<vmem>>, vector<16xf32>,
        %add3A_373 = arith.addf %add3A_347, %get3A_372 : vector<16xf32>
        %get3A_374 = arith.constant 0 : i32
        %get3A_375 = arith.index_cast %get3A_374 : i32 to index
        %get3A_376 = arith.index_cast %scan3A_367 : i32 to index
        %get3A_377 = arith.constant 16 : index
        %get3A_378 = tpu.vector_load %arg6[%get3A_375, %get3A_376, %get3A_377] {strides = array<i32>} : memref<2x200x64xf32, #tpu.memory_space<vmem>>, vector<16xf32>,
        %add3A_379 = arith.addf %add3A_353, %get3A_378 : vector<16xf32>
        %get3A_380 = arith.constant 0 : i32
        %get3A_381 = arith.index_cast %get3A_380 : i32 to index
        %get3A_382 = arith.index_cast %scan3A_367 : i32 to index
        %get3A_383 = arith.constant 32 : index
        %get3A_384 = tpu.vector_load %arg6[%get3A_381, %get3A_382, %get3A_383] {strides = array<i32>} : memref<2x200x64xf32, #tpu.memory_space<vmem>>, vector<16xf32>,
        %add3A_385 = arith.addf %add3A_359, %get3A_384 : vector<16xf32>
        %get3A_386 = arith.constant 0 : i32
        %get3A_387 = arith.index_cast %get3A_386 : i32 to index
        %get3A_388 = arith.index_cast %scan3A_367 : i32 to index
        %get3A_389 = arith.constant 48 : index
        %get3A_390 = tpu.vector_load %arg6[%get3A_387, %get3A_388, %get3A_389] {strides = array<i32>} : memref<2x200x64xf32, #tpu.memory_space<vmem>>, vector<16xf32>,
        %add3A_391 = arith.addf %add3A_365, %get3A_390 : vector<16xf32>
        %scan3A_392 = arith.constant 2 : i32
        %scan3A_393 = arith.addi %scan3A_338, %scan3A_392 : i32
        %get3A_394 = arith.constant 0 : i32
        %get3A_395 = arith.index_cast %get3A_394 : i32 to index
        %get3A_396 = arith.index_cast %scan3A_393 : i32 to index
        %get3A_397 = arith.constant 0 : index
        %get3A_398 = tpu.vector_load %arg6[%get3A_395, %get3A_396, %get3A_397] {strides = array<i32>} : memref<2x200x64xf32, #tpu.memory_space<vmem>>, vector<16xf32>,
        %add3A_399 = arith.addf %add3A_373, %get3A_398 : vector<16xf32>
        %get3A_400 = arith.constant 0 : i32
        %get3A_401 = arith.index_cast %get3A_400 : i32 to index
        %get3A_402 = arith.index_cast %scan3A_393 : i32 to index
        %get3A_403 = arith.constant 16 : index
        %get3A_404 = tpu.vector_load %arg6[%get3A_401, %get3A_402, %get3A_403] {strides = array<i32>} : memref<2x200x64xf32, #tpu.memory_space<vmem>>, vector<16xf32>,
        %add3A_405 = arith.addf %add3A_379, %get3A_404 : vector<16xf32>
        %get3A_406 = arith.constant 0 : i32
        %get3A_407 = arith.index_cast %get3A_406 : i32 to index
        %get3A_408 = arith.index_cast %scan3A_393 : i32 to index
        %get3A_409 = arith.constant 32 : index
        %get3A_410 = tpu.vector_load %arg6[%get3A_407, %get3A_408, %get3A_409] {strides = array<i32>} : memref<2x200x64xf32, #tpu.memory_space<vmem>>, vector<16xf32>,
        %add3A_411 = arith.addf %add3A_385, %get3A_410 : vector<16xf32>
        %get3A_412 = arith.constant 0 : i32
        %get3A_413 = arith.index_cast %get3A_412 : i32 to index
        %get3A_414 = arith.index_cast %scan3A_393 : i32 to index
        %get3A_415 = arith.constant 48 : index
        %get3A_416 = tpu.vector_load %arg6[%get3A_413, %get3A_414, %get3A_415] {strides = array<i32>} : memref<2x200x64xf32, #tpu.memory_space<vmem>>, vector<16xf32>,
        %add3A_417 = arith.addf %add3A_391, %get3A_416 : vector<16xf32>
        %scan3A_418 = arith.constant 3 : i32
        %scan3A_419 = arith.addi %scan3A_338, %scan3A_418 : i32
        %get3A_420 = arith.constant 0 : i32
        %get3A_421 = arith.index_cast %get3A_420 : i32 to index
        %get3A_422 = arith.index_cast %scan3A_419 : i32 to index
        %get3A_423 = arith.constant 0 : index
        %get3A_424 = tpu.vector_load %arg6[%get3A_421, %get3A_422, %get3A_423] {strides = array<i32>} : memref<2x200x64xf32, #tpu.memory_space<vmem>>, vector<16xf32>,
        %add3A_425 = arith.addf %add3A_399, %get3A_424 : vector<16xf32>
        %get3A_426 = arith.constant 0 : i32
        %get3A_427 = arith.index_cast %get3A_426 : i32 to index
        %get3A_428 = arith.index_cast %scan3A_419 : i32 to index
        %get3A_429 = arith.constant 16 : index
        %get3A_430 = tpu.vector_load %arg6[%get3A_427, %get3A_428, %get3A_429] {strides = array<i32>} : memref<2x200x64xf32, #tpu.memory_space<vmem>>, vector<16xf32>,
        %add3A_431 = arith.addf %add3A_405, %get3A_430 : vector<16xf32>
        %get3A_432 = arith.constant 0 : i32
        %get3A_433 = arith.index_cast %get3A_432 : i32 to index
        %get3A_434 = arith.index_cast %scan3A_419 : i32 to index
        %get3A_435 = arith.constant 32 : index
        %get3A_436 = tpu.vector_load %arg6[%get3A_433, %get3A_434, %get3A_435] {strides = array<i32>} : memref<2x200x64xf32, #tpu.memory_space<vmem>>, vector<16xf32>,
        %add3A_437 = arith.addf %add3A_411, %get3A_436 : vector<16xf32>
        %get3A_438 = arith.constant 0 : i32
        %get3A_439 = arith.index_cast %get3A_438 : i32 to index
        %get3A_440 = arith.index_cast %scan3A_419 : i32 to index
        %get3A_441 = arith.constant 48 : index
        %get3A_442 = tpu.vector_load %arg6[%get3A_439, %get3A_440, %get3A_441] {strides = array<i32>} : memref<2x200x64xf32, #tpu.memory_space<vmem>>, vector<16xf32>,
        %add3A_443 = arith.addf %add3A_417, %get3A_442 : vector<16xf32>
        scf.yield %add3A_425, %add3A_431, %add3A_437, %add3A_443 : vector<16xf32>, vector<16xf32>, vector<16xf32>, vector<16xf32>
      }
      %scan3A_242 = arith.constant 200 : i32
      %swap3A_243 = arith.index_cast %mul3A_176 : i32 to index
      %swap3A_244 = arith.constant 0 : index
      %swap3A_245 = tpu.vector_load %arg7[%swap3A_243, %swap3A_244] {strides = array<i32>} : memref<128x64xf32, #tpu.memory_space<vmem>>, vector<16xf32>,
      tpu.vector_store %arg7[%swap3A_243, %swap3A_244], %scan3A_241#0 {strides = array<i32>} : memref<128x64xf32, #tpu.memory_space<vmem>>, vector<16xf32>,
      %swap3A_246 = arith.index_cast %mul3A_176 : i32 to index
      %swap3A_247 = arith.constant 16 : index
      %swap3A_248 = tpu.vector_load %arg7[%swap3A_246, %swap3A_247] {strides = array<i32>} : memref<128x64xf32, #tpu.memory_space<vmem>>, vector<16xf32>,
      tpu.vector_store %arg7[%swap3A_246, %swap3A_247], %scan3A_241#1 {strides = array<i32>} : memref<128x64xf32, #tpu.memory_space<vmem>>, vector<16xf32>,
      %swap3A_249 = arith.index_cast %mul3A_176 : i32 to index
      %swap3A_250 = arith.constant 32 : index
      %swap3A_251 = tpu.vector_load %arg7[%swap3A_249, %swap3A_250] {strides = array<i32>} : memref<128x64xf32, #tpu.memory_space<vmem>>, vector<16xf32>,
      tpu.vector_store %arg7[%swap3A_249, %swap3A_250], %scan3A_241#2 {strides = array<i32>} : memref<128x64xf32, #tpu.memory_space<vmem>>, vector<16xf32>,
      %swap3A_252 = arith.index_cast %mul3A_176 : i32 to index
      %swap3A_253 = arith.constant 48 : index
      %swap3A_254 = tpu.vector_load %arg7[%swap3A_252, %swap3A_253] {strides = array<i32>} : memref<128x64xf32, #tpu.memory_space<vmem>>, vector<16xf32>,
      tpu.vector_store %arg7[%swap3A_252, %swap3A_253], %scan3A_241#3 {strides = array<i32>} : memref<128x64xf32, #tpu.memory_space<vmem>>, vector<16xf32>,
      %add3A_255 = arith.constant 1 : i32
      %add3A_256 = arith.addi %mul3A_176, %add3A_255 : i32
      %dma_wait3A_257 = arith.constant 1 : i32
      %dma_wait3A_258 = arith.constant 1 : i32
      %dma_wait3A_259 = arith.constant 0 : i32
      %dma_wait3A_260 = arith.constant 0 : i32
      %dma_wait3A_261 = tpu.memref_slice %arg6[%dma_wait3A_257, %dma_wait3A_259, %dma_wait3A_260] : memref<2x200x64xf32, #tpu.memory_space<vmem>> -> memref<1x128x64xf32, #tpu.memory_space<vmem>>
      %dma_wait3A_262 = tpu.memref_squeeze %dma_wait3A_261 : memref<1x128x64xf32, #tpu.memory_space<vmem>> -> memref<128x64xf32, #tpu.memory_space<vmem>>
      %dma_wait3A_263 = arith.constant 0 : i32
      %dma_wait3A_264 = tpu.memref_slice %arg5[%add3A_256, %dma_wait3A_263] : memref<128x200xi32, #tpu.memory_space<vmem>> -> memref<1x128xi32, #tpu.memory_space<vmem>>
      %dma_wait3A_265 = tpu.memref_squeeze %dma_wait3A_264 : memref<1x128xi32, #tpu.memory_space<vmem>> -> memref<128xi32, #tpu.memory_space<vmem>>
      %dma_wait3A_266 = arith.constant 0 : i32
      %dma_wait3A_267 = arith.constant 0 : i32
      %dma_wait3A_268 = tpu.memref_slice %arg3[%dma_wait3A_266, %dma_wait3A_267] : memref<1000000x64xf32, #tpu.memory_space<hbm>> -> memref<1000000x64xf32, #tpu.memory_space<hbm>>
      %dma_wait3A_269 = tpu.memref_slice %arg8[%dma_wait3A_258] : memref<2x!tpu.dma_semaphore, #tpu.memory_space<semaphore_mem>> -> memref<1x!tpu.dma_semaphore, #tpu.memory_space<semaphore_mem>>
      %dma_wait3A_270 = tpu.memref_squeeze %dma_wait3A_269 : memref<1x!tpu.dma_semaphore, #tpu.memory_space<semaphore_mem>> -> memref<!tpu.dma_semaphore, #tpu.memory_space<semaphore_mem>>
      tpu.wait_indirect_dma semaphore(%dma_wait3A_270 : memref<!tpu.dma_semaphore, #tpu.memory_space<semaphore_mem>>) src(%dma_wait3A_268 : memref<1000000x64xf32, #tpu.memory_space<hbm>>) dst(%dma_wait3A_262 : memref<128x64xf32, #tpu.memory_space<vmem>>)
      %dma_wait3A_271 = arith.constant 1 : i32
      %dma_wait3A_272 = arith.constant 1 : i32
      %dma_wait3A_273 = arith.constant 128 : i32
      %dma_wait3A_274 = arith.constant 0 : i32
      %dma_wait3A_275 = tpu.memref_slice %arg6[%dma_wait3A_271, %dma_wait3A_273, %dma_wait3A_274] : memref<2x200x64xf32, #tpu.memory_space<vmem>> -> memref<1x72x64xf32, #tpu.memory_space<vmem>>
      %dma_wait3A_276 = tpu.memref_squeeze %dma_wait3A_275 : memref<1x72x64xf32, #tpu.memory_space<vmem>> -> memref<72x64xf32, #tpu.memory_space<vmem>>
      %dma_wait3A_277 = arith.constant 128 : i32
      %dma_wait3A_278 = tpu.memref_slice %arg5[%add3A_256, %dma_wait3A_277] : memref<128x200xi32, #tpu.memory_space<vmem>> -> memref<1x72xi32, #tpu.memory_space<vmem>>
      %dma_wait3A_279 = tpu.memref_squeeze %dma_wait3A_278 : memref<1x72xi32, #tpu.memory_space<vmem>> -> memref<72xi32, #tpu.memory_space<vmem>>
      %dma_wait3A_280 = arith.constant 0 : i32
      %dma_wait3A_281 = arith.constant 0 : i32
      %dma_wait3A_282 = tpu.memref_slice %arg3[%dma_wait3A_280, %dma_wait3A_281] : memref<1000000x64xf32, #tpu.memory_space<hbm>> -> memref<1000000x64xf32, #tpu.memory_space<hbm>>
      %dma_wait3A_283 = tpu.memref_slice %arg8[%dma_wait3A_272] : memref<2x!tpu.dma_semaphore, #tpu.memory_space<semaphore_mem>> -> memref<1x!tpu.dma_semaphore, #tpu.memory_space<semaphore_mem>>
      %dma_wait3A_284 = tpu.memref_squeeze %dma_wait3A_283 : memref<1x!tpu.dma_semaphore, #tpu.memory_space<semaphore_mem>> -> memref<!tpu.dma_semaphore, #tpu.memory_space<semaphore_mem>>
      tpu.wait_indirect_dma semaphore(%dma_wait3A_284 : memref<!tpu.dma_semaphore, #tpu.memory_space<semaphore_mem>>) src(%dma_wait3A_282 : memref<1000000x64xf32, #tpu.memory_space<hbm>>) dst(%dma_wait3A_276 : memref<72x64xf32, #tpu.memory_space<vmem>>)
      %add3A_285 = arith.constant 3 : i32
      %add3A_286 = arith.addi %mul3A_176, %add3A_285 : i32
      %dma_start3A_287 = arith.constant 1 : i32
      %dma_start3A_288 = arith.constant 1 : i32
      %dma_start3A_289 = arith.constant 0 : i32
      %dma_start3A_290 = arith.constant 0 : i32
      %dma_start3A_291 = tpu.memref_slice %arg6[%dma_start3A_287, %dma_start3A_289, %dma_start3A_290] : memref<2x200x64xf32, #tpu.memory_space<vmem>> -> memref<1x128x64xf32, #tpu.memory_space<vmem>>
      %dma_start3A_292 = tpu.memref_squeeze %dma_start3A_291 : memref<1x128x64xf32, #tpu.memory_space<vmem>> -> memref<128x64xf32, #tpu.memory_space<vmem>>
      %dma_start3A_293 = arith.constant 0 : i32
      %dma_start3A_294 = tpu.memref_slice %arg5[%add3A_286, %dma_start3A_293] : memref<128x200xi32, #tpu.memory_space<vmem>> -> memref<1x128xi32, #tpu.memory_space<vmem>>
      %dma_start3A_295 = tpu.memref_squeeze %dma_start3A_294 : memref<1x128xi32, #tpu.memory_space<vmem>> -> memref<128xi32, #tpu.memory_space<vmem>>
      %dma_start3A_296 = arith.constant 0 : i32
      %dma_start3A_297 = arith.constant 0 : i32
      %dma_start3A_298 = tpu.memref_slice %arg3[%dma_start3A_296, %dma_start3A_297] : memref<1000000x64xf32, #tpu.memory_space<hbm>> -> memref<1000000x64xf32, #tpu.memory_space<hbm>>
      %dma_start3A_299 = tpu.memref_slice %arg8[%dma_start3A_288] : memref<2x!tpu.dma_semaphore, #tpu.memory_space<semaphore_mem>> -> memref<1x!tpu.dma_semaphore, #tpu.memory_space<semaphore_mem>>
      %dma_start3A_300 = tpu.memref_squeeze %dma_start3A_299 : memref<1x!tpu.dma_semaphore, #tpu.memory_space<semaphore_mem>> -> memref<!tpu.dma_semaphore, #tpu.memory_space<semaphore_mem>>
      tpu.enqueue_indirect_dma source(%dma_start3A_298 : memref<1000000x64xf32, #tpu.memory_space<hbm>>) target(%dma_start3A_292 : memref<128x64xf32, #tpu.memory_space<vmem>>) offsets(%dma_start3A_295 : memref<128xi32, #tpu.memory_space<vmem>>) semaphore(%dma_start3A_300 : memref<!tpu.dma_semaphore, #tpu.memory_space<semaphore_mem>>)
      %dma_start3A_301 = arith.constant 1 : i32
      %dma_start3A_302 = arith.constant 1 : i32
      %dma_start3A_303 = arith.constant 128 : i32
      %dma_start3A_304 = arith.constant 0 : i32
      %dma_start3A_305 = tpu.memref_slice %arg6[%dma_start3A_301, %dma_start3A_303, %dma_start3A_304] : memref<2x200x64xf32, #tpu.memory_space<vmem>> -> memref<1x72x64xf32, #tpu.memory_space<vmem>>
      %dma_start3A_306 = tpu.memref_squeeze %dma_start3A_305 : memref<1x72x64xf32, #tpu.memory_space<vmem>> -> memref<72x64xf32, #tpu.memory_space<vmem>>
      %dma_start3A_307 = arith.constant 128 : i32
      %dma_start3A_308 = tpu.memref_slice %arg5[%add3A_286, %dma_start3A_307] : memref<128x200xi32, #tpu.memory_space<vmem>> -> memref<1x72xi32, #tpu.memory_space<vmem>>
      %dma_start3A_309 = tpu.memref_squeeze %dma_start3A_308 : memref<1x72xi32, #tpu.memory_space<vmem>> -> memref<72xi32, #tpu.memory_space<vmem>>
      %dma_start3A_310 = arith.constant 0 : i32
      %dma_start3A_311 = arith.constant 0 : i32
      %dma_start3A_312 = tpu.memref_slice %arg3[%dma_start3A_310, %dma_start3A_311] : memref<1000000x64xf32, #tpu.memory_space<hbm>> -> memref<1000000x64xf32, #tpu.memory_space<hbm>>
      %dma_start3A_313 = tpu.memref_slice %arg8[%dma_start3A_302] : memref<2x!tpu.dma_semaphore, #tpu.memory_space<semaphore_mem>> -> memref<1x!tpu.dma_semaphore, #tpu.memory_space<semaphore_mem>>
      %dma_start3A_314 = tpu.memref_squeeze %dma_start3A_313 : memref<1x!tpu.dma_semaphore, #tpu.memory_space<semaphore_mem>> -> memref<!tpu.dma_semaphore, #tpu.memory_space<semaphore_mem>>
      tpu.enqueue_indirect_dma source(%dma_start3A_312 : memref<1000000x64xf32, #tpu.memory_space<hbm>>) target(%dma_start3A_306 : memref<72x64xf32, #tpu.memory_space<vmem>>) offsets(%dma_start3A_309 : memref<72xi32, #tpu.memory_space<vmem>>) semaphore(%dma_start3A_314 : memref<!tpu.dma_semaphore, #tpu.memory_space<semaphore_mem>>)
      %add3A_315 = arith.constant 1 : i32
      %add3A_316 = arith.addi %mul3A_176, %add3A_315 : i32
      %broadcast_in_dim3A_317 = arith.constant 0.000000e+00 : f32
      %broadcast_in_dim3A_318 = vector.broadcast %broadcast_in_dim3A_317 : f32 to vector<16xf32>
      %scan3A_319 = arith.constant 0 : i32
      %scan3A_320 = arith.constant 200 : i32
      %scan3A_321 = arith.addi %scan3A_319, %scan3A_320 : i32
      %scan3A_322 = arith.constant 4 : i32
      %scan3A_323:4 = scf.for %scan3A_338 = %scan3A_319 to %scan3A_321 step %scan3A_322 iter_args(%scan3A_339 = %broadcast_in_dim3A_318, %scan3A_340 = %broadcast_in_dim3A_318, %scan3A_341 = %broadcast_in_dim3A_318, %scan3A_342 = %broadcast_in_dim3A_318) -> (vector<16xf32>, vector<16xf32>, vector<16xf32>, vector<16xf32>)  : i32 {
        %get3A = arith.constant 1 : i32
        %get3A_343 = arith.index_cast %get3A : i32 to index
        %get3A_344 = arith.index_cast %scan3A_338 : i32 to index
        %get3A_345 = arith.constant 0 : index
        %get3A_346 = tpu.vector_load %arg6[%get3A_343, %get3A_344, %get3A_345] {strides = array<i32>} : memref<2x200x64xf32, #tpu.memory_space<vmem>>, vector<16xf32>,
        %add3A_347 = arith.addf %scan3A_339, %get3A_346 : vector<16xf32>
        %get3A_348 = arith.constant 1 : i32
        %get3A_349 = arith.index_cast %get3A_348 : i32 to index
        %get3A_350 = arith.index_cast %scan3A_338 : i32 to index
        %get3A_351 = arith.constant 16 : index
        %get3A_352 = tpu.vector_load %arg6[%get3A_349, %get3A_350, %get3A_351] {strides = array<i32>} : memref<2x200x64xf32, #tpu.memory_space<vmem>>, vector<16xf32>,
        %add3A_353 = arith.addf %scan3A_340, %get3A_352 : vector<16xf32>
        %get3A_354 = arith.constant 1 : i32
        %get3A_355 = arith.index_cast %get3A_354 : i32 to index
        %get3A_356 = arith.index_cast %scan3A_338 : i32 to index
        %get3A_357 = arith.constant 32 : index
        %get3A_358 = tpu.vector_load %arg6[%get3A_355, %get3A_356, %get3A_357] {strides = array<i32>} : memref<2x200x64xf32, #tpu.memory_space<vmem>>, vector<16xf32>,
        %add3A_359 = arith.addf %scan3A_341, %get3A_358 : vector<16xf32>
        %get3A_360 = arith.constant 1 : i32
        %get3A_361 = arith.index_cast %get3A_360 : i32 to index
        %get3A_362 = arith.index_cast %scan3A_338 : i32 to index
        %get3A_363 = arith.constant 48 : index
        %get3A_364 = tpu.vector_load %arg6[%get3A_361, %get3A_362, %get3A_363] {strides = array<i32>} : memref<2x200x64xf32, #tpu.memory_space<vmem>>, vector<16xf32>,
        %add3A_365 = arith.addf %scan3A_342, %get3A_364 : vector<16xf32>
        %scan3A_366 = arith.constant 1 : i32
        %scan3A_367 = arith.addi %scan3A_338, %scan3A_366 : i32
        %get3A_368 = arith.constant 1 : i32
        %get3A_369 = arith.index_cast %get3A_368 : i32 to index
        %get3A_370 = arith.index_cast %scan3A_367 : i32 to index
        %get3A_371 = arith.constant 0 : index
        %get3A_372 = tpu.vector_load %arg6[%get3A_369, %get3A_370, %get3A_371] {strides = array<i32>} : memref<2x200x64xf32, #tpu.memory_space<vmem>>, vector<16xf32>,
        %add3A_373 = arith.addf %add3A_347, %get3A_372 : vector<16xf32>
        %get3A_374 = arith.constant 1 : i32
        %get3A_375 = arith.index_cast %get3A_374 : i32 to index
        %get3A_376 = arith.index_cast %scan3A_367 : i32 to index
        %get3A_377 = arith.constant 16 : index
        %get3A_378 = tpu.vector_load %arg6[%get3A_375, %get3A_376, %get3A_377] {strides = array<i32>} : memref<2x200x64xf32, #tpu.memory_space<vmem>>, vector<16xf32>,
        %add3A_379 = arith.addf %add3A_353, %get3A_378 : vector<16xf32>
        %get3A_380 = arith.constant 1 : i32
        %get3A_381 = arith.index_cast %get3A_380 : i32 to index
        %get3A_382 = arith.index_cast %scan3A_367 : i32 to index
        %get3A_383 = arith.constant 32 : index
        %get3A_384 = tpu.vector_load %arg6[%get3A_381, %get3A_382, %get3A_383] {strides = array<i32>} : memref<2x200x64xf32, #tpu.memory_space<vmem>>, vector<16xf32>,
        %add3A_385 = arith.addf %add3A_359, %get3A_384 : vector<16xf32>
        %get3A_386 = arith.constant 1 : i32
        %get3A_387 = arith.index_cast %get3A_386 : i32 to index
        %get3A_388 = arith.index_cast %scan3A_367 : i32 to index
        %get3A_389 = arith.constant 48 : index
        %get3A_390 = tpu.vector_load %arg6[%get3A_387, %get3A_388, %get3A_389] {strides = array<i32>} : memref<2x200x64xf32, #tpu.memory_space<vmem>>, vector<16xf32>,
        %add3A_391 = arith.addf %add3A_365, %get3A_390 : vector<16xf32>
        %scan3A_392 = arith.constant 2 : i32
        %scan3A_393 = arith.addi %scan3A_338, %scan3A_392 : i32
        %get3A_394 = arith.constant 1 : i32
        %get3A_395 = arith.index_cast %get3A_394 : i32 to index
        %get3A_396 = arith.index_cast %scan3A_393 : i32 to index
        %get3A_397 = arith.constant 0 : index
        %get3A_398 = tpu.vector_load %arg6[%get3A_395, %get3A_396, %get3A_397] {strides = array<i32>} : memref<2x200x64xf32, #tpu.memory_space<vmem>>, vector<16xf32>,
        %add3A_399 = arith.addf %add3A_373, %get3A_398 : vector<16xf32>
        %get3A_400 = arith.constant 1 : i32
        %get3A_401 = arith.index_cast %get3A_400 : i32 to index
        %get3A_402 = arith.index_cast %scan3A_393 : i32 to index
        %get3A_403 = arith.constant 16 : index
        %get3A_404 = tpu.vector_load %arg6[%get3A_401, %get3A_402, %get3A_403] {strides = array<i32>} : memref<2x200x64xf32, #tpu.memory_space<vmem>>, vector<16xf32>,
        %add3A_405 = arith.addf %add3A_379, %get3A_404 : vector<16xf32>
        %get3A_406 = arith.constant 1 : i32
        %get3A_407 = arith.index_cast %get3A_406 : i32 to index
        %get3A_408 = arith.index_cast %scan3A_393 : i32 to index
        %get3A_409 = arith.constant 32 : index
        %get3A_410 = tpu.vector_load %arg6[%get3A_407, %get3A_408, %get3A_409] {strides = array<i32>} : memref<2x200x64xf32, #tpu.memory_space<vmem>>, vector<16xf32>,
        %add3A_411 = arith.addf %add3A_385, %get3A_410 : vector<16xf32>
        %get3A_412 = arith.constant 1 : i32
        %get3A_413 = arith.index_cast %get3A_412 : i32 to index
        %get3A_414 = arith.index_cast %scan3A_393 : i32 to index
        %get3A_415 = arith.constant 48 : index
        %get3A_416 = tpu.vector_load %arg6[%get3A_413, %get3A_414, %get3A_415] {strides = array<i32>} : memref<2x200x64xf32, #tpu.memory_space<vmem>>, vector<16xf32>,
        %add3A_417 = arith.addf %add3A_391, %get3A_416 : vector<16xf32>
        %scan3A_418 = arith.constant 3 : i32
        %scan3A_419 = arith.addi %scan3A_338, %scan3A_418 : i32
        %get3A_420 = arith.constant 1 : i32
        %get3A_421 = arith.index_cast %get3A_420 : i32 to index
        %get3A_422 = arith.index_cast %scan3A_419 : i32 to index
        %get3A_423 = arith.constant 0 : index
        %get3A_424 = tpu.vector_load %arg6[%get3A_421, %get3A_422, %get3A_423] {strides = array<i32>} : memref<2x200x64xf32, #tpu.memory_space<vmem>>, vector<16xf32>,
        %add3A_425 = arith.addf %add3A_399, %get3A_424 : vector<16xf32>
        %get3A_426 = arith.constant 1 : i32
        %get3A_427 = arith.index_cast %get3A_426 : i32 to index
        %get3A_428 = arith.index_cast %scan3A_419 : i32 to index
        %get3A_429 = arith.constant 16 : index
        %get3A_430 = tpu.vector_load %arg6[%get3A_427, %get3A_428, %get3A_429] {strides = array<i32>} : memref<2x200x64xf32, #tpu.memory_space<vmem>>, vector<16xf32>,
        %add3A_431 = arith.addf %add3A_405, %get3A_430 : vector<16xf32>
        %get3A_432 = arith.constant 1 : i32
        %get3A_433 = arith.index_cast %get3A_432 : i32 to index
        %get3A_434 = arith.index_cast %scan3A_419 : i32 to index
        %get3A_435 = arith.constant 32 : index
        %get3A_436 = tpu.vector_load %arg6[%get3A_433, %get3A_434, %get3A_435] {strides = array<i32>} : memref<2x200x64xf32, #tpu.memory_space<vmem>>, vector<16xf32>,
        %add3A_437 = arith.addf %add3A_411, %get3A_436 : vector<16xf32>
        %get3A_438 = arith.constant 1 : i32
        %get3A_439 = arith.index_cast %get3A_438 : i32 to index
        %get3A_440 = arith.index_cast %scan3A_419 : i32 to index
        %get3A_441 = arith.constant 48 : index
        %get3A_442 = tpu.vector_load %arg6[%get3A_439, %get3A_440, %get3A_441] {strides = array<i32>} : memref<2x200x64xf32, #tpu.memory_space<vmem>>, vector<16xf32>,
        %add3A_443 = arith.addf %add3A_417, %get3A_442 : vector<16xf32>
        scf.yield %add3A_425, %add3A_431, %add3A_437, %add3A_443 : vector<16xf32>, vector<16xf32>, vector<16xf32>, vector<16xf32>
      }
      %scan3A_324 = arith.constant 200 : i32
      %swap3A_325 = arith.index_cast %add3A_316 : i32 to index
      %swap3A_326 = arith.constant 0 : index
      %swap3A_327 = tpu.vector_load %arg7[%swap3A_325, %swap3A_326] {strides = array<i32>} : memref<128x64xf32, #tpu.memory_space<vmem>>, vector<16xf32>,
      tpu.vector_store %arg7[%swap3A_325, %swap3A_326], %scan3A_323#0 {strides = array<i32>} : memref<128x64xf32, #tpu.memory_space<vmem>>, vector<16xf32>,
      %swap3A_328 = arith.index_cast %add3A_316 : i32 to index
      %swap3A_329 = arith.constant 16 : index
      %swap3A_330 = tpu.vector_load %arg7[%swap3A_328, %swap3A_329] {strides = array<i32>} : memref<128x64xf32, #tpu.memory_space<vmem>>, vector<16xf32>,
      tpu.vector_store %arg7[%swap3A_328, %swap3A_329], %scan3A_323#1 {strides = array<i32>} : memref<128x64xf32, #tpu.memory_space<vmem>>, vector<16xf32>,
      %swap3A_331 = arith.index_cast %add3A_316 : i32 to index
      %swap3A_332 = arith.constant 32 : index
      %swap3A_333 = tpu.vector_load %arg7[%swap3A_331, %swap3A_332] {strides = array<i32>} : memref<128x64xf32, #tpu.memory_space<vmem>>, vector<16xf32>,
      tpu.vector_store %arg7[%swap3A_331, %swap3A_332], %scan3A_323#2 {strides = array<i32>} : memref<128x64xf32, #tpu.memory_space<vmem>>, vector<16xf32>,
      %swap3A_334 = arith.index_cast %add3A_316 : i32 to index
      %swap3A_335 = arith.constant 48 : index
      %swap3A_336 = tpu.vector_load %arg7[%swap3A_334, %swap3A_335] {strides = array<i32>} : memref<128x64xf32, #tpu.memory_space<vmem>>, vector<16xf32>,
      tpu.vector_store %arg7[%swap3A_334, %swap3A_335], %scan3A_323#3 {strides = array<i32>} : memref<128x64xf32, #tpu.memory_space<vmem>>, vector<16xf32>,
      %scan3A_337 = arith.constant 0 : i32
      scf.yield %scan3A_337 : i32
    }
    %scan3A_67 = arith.constant 63 : i32
    %dma_wait3A = arith.constant 126 : i32
    %dma_wait3A_68 = arith.constant 0 : i32
    %dma_wait3A_69 = arith.constant 0 : i32
    %dma_wait3A_70 = arith.constant 0 : i32
    %dma_wait3A_71 = arith.constant 0 : i32
    %dma_wait3A_72 = tpu.memref_slice %arg6[%dma_wait3A_68, %dma_wait3A_70, %dma_wait3A_71] : memref<2x200x64xf32, #tpu.memory_space<vmem>> -> memref<1x128x64xf32, #tpu.memory_space<vmem>>
    %dma_wait3A_73 = tpu.memref_squeeze %dma_wait3A_72 : memref<1x128x64xf32, #tpu.memory_space<vmem>> -> memref<128x64xf32, #tpu.memory_space<vmem>>
    %dma_wait3A_74 = arith.constant 0 : i32
    %dma_wait3A_75 = tpu.memref_slice %arg5[%dma_wait3A, %dma_wait3A_74] : memref<128x200xi32, #tpu.memory_space<vmem>> -> memref<1x128xi32, #tpu.memory_space<vmem>>
    %dma_wait3A_76 = tpu.memref_squeeze %dma_wait3A_75 : memref<1x128xi32, #tpu.memory_space<vmem>> -> memref<128xi32, #tpu.memory_space<vmem>>
    %dma_wait3A_77 = arith.constant 0 : i32
    %dma_wait3A_78 = arith.constant 0 : i32
    %dma_wait3A_79 = tpu.memref_slice %arg3[%dma_wait3A_77, %dma_wait3A_78] : memref<1000000x64xf32, #tpu.memory_space<hbm>> -> memref<1000000x64xf32, #tpu.memory_space<hbm>>
    %dma_wait3A_80 = tpu.memref_slice %arg8[%dma_wait3A_69] : memref<2x!tpu.dma_semaphore, #tpu.memory_space<semaphore_mem>> -> memref<1x!tpu.dma_semaphore, #tpu.memory_space<semaphore_mem>>
    %dma_wait3A_81 = tpu.memref_squeeze %dma_wait3A_80 : memref<1x!tpu.dma_semaphore, #tpu.memory_space<semaphore_mem>> -> memref<!tpu.dma_semaphore, #tpu.memory_space<semaphore_mem>>
    tpu.wait_indirect_dma semaphore(%dma_wait3A_81 : memref<!tpu.dma_semaphore, #tpu.memory_space<semaphore_mem>>) src(%dma_wait3A_79 : memref<1000000x64xf32, #tpu.memory_space<hbm>>) dst(%dma_wait3A_73 : memref<128x64xf32, #tpu.memory_space<vmem>>)
    %dma_wait3A_82 = arith.constant 126 : i32
    %dma_wait3A_83 = arith.constant 0 : i32
    %dma_wait3A_84 = arith.constant 0 : i32
    %dma_wait3A_85 = arith.constant 128 : i32
    %dma_wait3A_86 = arith.constant 0 : i32
    %dma_wait3A_87 = tpu.memref_slice %arg6[%dma_wait3A_83, %dma_wait3A_85, %dma_wait3A_86] : memref<2x200x64xf32, #tpu.memory_space<vmem>> -> memref<1x72x64xf32, #tpu.memory_space<vmem>>
    %dma_wait3A_88 = tpu.memref_squeeze %dma_wait3A_87 : memref<1x72x64xf32, #tpu.memory_space<vmem>> -> memref<72x64xf32, #tpu.memory_space<vmem>>
    %dma_wait3A_89 = arith.constant 128 : i32
    %dma_wait3A_90 = tpu.memref_slice %arg5[%dma_wait3A_82, %dma_wait3A_89] : memref<128x200xi32, #tpu.memory_space<vmem>> -> memref<1x72xi32, #tpu.memory_space<vmem>>
    %dma_wait3A_91 = tpu.memref_squeeze %dma_wait3A_90 : memref<1x72xi32, #tpu.memory_space<vmem>> -> memref<72xi32, #tpu.memory_space<vmem>>
    %dma_wait3A_92 = arith.constant 0 : i32
    %dma_wait3A_93 = arith.constant 0 : i32
    %dma_wait3A_94 = tpu.memref_slice %arg3[%dma_wait3A_92, %dma_wait3A_93] : memref<1000000x64xf32, #tpu.memory_space<hbm>> -> memref<1000000x64xf32, #tpu.memory_space<hbm>>
    %dma_wait3A_95 = tpu.memref_slice %arg8[%dma_wait3A_84] : memref<2x!tpu.dma_semaphore, #tpu.memory_space<semaphore_mem>> -> memref<1x!tpu.dma_semaphore, #tpu.memory_space<semaphore_mem>>
    %dma_wait3A_96 = tpu.memref_squeeze %dma_wait3A_95 : memref<1x!tpu.dma_semaphore, #tpu.memory_space<semaphore_mem>> -> memref<!tpu.dma_semaphore, #tpu.memory_space<semaphore_mem>>
    tpu.wait_indirect_dma semaphore(%dma_wait3A_96 : memref<!tpu.dma_semaphore, #tpu.memory_space<semaphore_mem>>) src(%dma_wait3A_94 : memref<1000000x64xf32, #tpu.memory_space<hbm>>) dst(%dma_wait3A_88 : memref<72x64xf32, #tpu.memory_space<vmem>>)
    %broadcast_in_dim3A = arith.constant 0.000000e+00 : f32
    %broadcast_in_dim3A_97 = vector.broadcast %broadcast_in_dim3A : f32 to vector<16xf32>
    %scan3A_98 = arith.constant 0 : i32
    %scan3A_99 = arith.constant 200 : i32
    %scan3A_100 = arith.addi %scan3A_98, %scan3A_99 : i32
    %scan3A_101 = arith.constant 4 : i32
    %scan3A_102:4 = scf.for %scan3A_173 = %scan3A_98 to %scan3A_100 step %scan3A_101 iter_args(%scan3A_174 = %broadcast_in_dim3A_97, %scan3A_175 = %broadcast_in_dim3A_97, %scan3A_176 = %broadcast_in_dim3A_97, %scan3A_177 = %broadcast_in_dim3A_97) -> (vector<16xf32>, vector<16xf32>, vector<16xf32>, vector<16xf32>)  : i32 {
      %get3A = arith.constant 0 : i32
      %get3A_178 = arith.index_cast %get3A : i32 to index
      %get3A_179 = arith.index_cast %scan3A_173 : i32 to index
      %get3A_180 = arith.constant 0 : index
      %get3A_181 = tpu.vector_load %arg6[%get3A_178, %get3A_179, %get3A_180] {strides = array<i32>} : memref<2x200x64xf32, #tpu.memory_space<vmem>>, vector<16xf32>,
      %add3A_182 = arith.addf %scan3A_174, %get3A_181 : vector<16xf32>
      %get3A_183 = arith.constant 0 : i32
      %get3A_184 = arith.index_cast %get3A_183 : i32 to index
      %get3A_185 = arith.index_cast %scan3A_173 : i32 to index
      %get3A_186 = arith.constant 16 : index
      %get3A_187 = tpu.vector_load %arg6[%get3A_184, %get3A_185, %get3A_186] {strides = array<i32>} : memref<2x200x64xf32, #tpu.memory_space<vmem>>, vector<16xf32>,
      %add3A_188 = arith.addf %scan3A_175, %get3A_187 : vector<16xf32>
      %get3A_189 = arith.constant 0 : i32
      %get3A_190 = arith.index_cast %get3A_189 : i32 to index
      %get3A_191 = arith.index_cast %scan3A_173 : i32 to index
      %get3A_192 = arith.constant 32 : index
      %get3A_193 = tpu.vector_load %arg6[%get3A_190, %get3A_191, %get3A_192] {strides = array<i32>} : memref<2x200x64xf32, #tpu.memory_space<vmem>>, vector<16xf32>,
      %add3A_194 = arith.addf %scan3A_176, %get3A_193 : vector<16xf32>
      %get3A_195 = arith.constant 0 : i32
      %get3A_196 = arith.index_cast %get3A_195 : i32 to index
      %get3A_197 = arith.index_cast %scan3A_173 : i32 to index
      %get3A_198 = arith.constant 48 : index
      %get3A_199 = tpu.vector_load %arg6[%get3A_196, %get3A_197, %get3A_198] {strides = array<i32>} : memref<2x200x64xf32, #tpu.memory_space<vmem>>, vector<16xf32>,
      %add3A_200 = arith.addf %scan3A_177, %get3A_199 : vector<16xf32>
      %scan3A_201 = arith.constant 1 : i32
      %scan3A_202 = arith.addi %scan3A_173, %scan3A_201 : i32
      %get3A_203 = arith.constant 0 : i32
      %get3A_204 = arith.index_cast %get3A_203 : i32 to index
      %get3A_205 = arith.index_cast %scan3A_202 : i32 to index
      %get3A_206 = arith.constant 0 : index
      %get3A_207 = tpu.vector_load %arg6[%get3A_204, %get3A_205, %get3A_206] {strides = array<i32>} : memref<2x200x64xf32, #tpu.memory_space<vmem>>, vector<16xf32>,
      %add3A_208 = arith.addf %add3A_182, %get3A_207 : vector<16xf32>
      %get3A_209 = arith.constant 0 : i32
      %get3A_210 = arith.index_cast %get3A_209 : i32 to index
      %get3A_211 = arith.index_cast %scan3A_202 : i32 to index
      %get3A_212 = arith.constant 16 : index
      %get3A_213 = tpu.vector_load %arg6[%get3A_210, %get3A_211, %get3A_212] {strides = array<i32>} : memref<2x200x64xf32, #tpu.memory_space<vmem>>, vector<16xf32>,
      %add3A_214 = arith.addf %add3A_188, %get3A_213 : vector<16xf32>
      %get3A_215 = arith.constant 0 : i32
      %get3A_216 = arith.index_cast %get3A_215 : i32 to index
      %get3A_217 = arith.index_cast %scan3A_202 : i32 to index
      %get3A_218 = arith.constant 32 : index
      %get3A_219 = tpu.vector_load %arg6[%get3A_216, %get3A_217, %get3A_218] {strides = array<i32>} : memref<2x200x64xf32, #tpu.memory_space<vmem>>, vector<16xf32>,
      %add3A_220 = arith.addf %add3A_194, %get3A_219 : vector<16xf32>
      %get3A_221 = arith.constant 0 : i32
      %get3A_222 = arith.index_cast %get3A_221 : i32 to index
      %get3A_223 = arith.index_cast %scan3A_202 : i32 to index
      %get3A_224 = arith.constant 48 : index
      %get3A_225 = tpu.vector_load %arg6[%get3A_222, %get3A_223, %get3A_224] {strides = array<i32>} : memref<2x200x64xf32, #tpu.memory_space<vmem>>, vector<16xf32>,
      %add3A_226 = arith.addf %add3A_200, %get3A_225 : vector<16xf32>
      %scan3A_227 = arith.constant 2 : i32
      %scan3A_228 = arith.addi %scan3A_173, %scan3A_227 : i32
      %get3A_229 = arith.constant 0 : i32
      %get3A_230 = arith.index_cast %get3A_229 : i32 to index
      %get3A_231 = arith.index_cast %scan3A_228 : i32 to index
      %get3A_232 = arith.constant 0 : index
      %get3A_233 = tpu.vector_load %arg6[%get3A_230, %get3A_231, %get3A_232] {strides = array<i32>} : memref<2x200x64xf32, #tpu.memory_space<vmem>>, vector<16xf32>,
      %add3A_234 = arith.addf %add3A_208, %get3A_233 : vector<16xf32>
      %get3A_235 = arith.constant 0 : i32
      %get3A_236 = arith.index_cast %get3A_235 : i32 to index
      %get3A_237 = arith.index_cast %scan3A_228 : i32 to index
      %get3A_238 = arith.constant 16 : index
      %get3A_239 = tpu.vector_load %arg6[%get3A_236, %get3A_237, %get3A_238] {strides = array<i32>} : memref<2x200x64xf32, #tpu.memory_space<vmem>>, vector<16xf32>,
      %add3A_240 = arith.addf %add3A_214, %get3A_239 : vector<16xf32>
      %get3A_241 = arith.constant 0 : i32
      %get3A_242 = arith.index_cast %get3A_241 : i32 to index
      %get3A_243 = arith.index_cast %scan3A_228 : i32 to index
      %get3A_244 = arith.constant 32 : index
      %get3A_245 = tpu.vector_load %arg6[%get3A_242, %get3A_243, %get3A_244] {strides = array<i32>} : memref<2x200x64xf32, #tpu.memory_space<vmem>>, vector<16xf32>,
      %add3A_246 = arith.addf %add3A_220, %get3A_245 : vector<16xf32>
      %get3A_247 = arith.constant 0 : i32
      %get3A_248 = arith.index_cast %get3A_247 : i32 to index
      %get3A_249 = arith.index_cast %scan3A_228 : i32 to index
      %get3A_250 = arith.constant 48 : index
      %get3A_251 = tpu.vector_load %arg6[%get3A_248, %get3A_249, %get3A_250] {strides = array<i32>} : memref<2x200x64xf32, #tpu.memory_space<vmem>>, vector<16xf32>,
      %add3A_252 = arith.addf %add3A_226, %get3A_251 : vector<16xf32>
      %scan3A_253 = arith.constant 3 : i32
      %scan3A_254 = arith.addi %scan3A_173, %scan3A_253 : i32
      %get3A_255 = arith.constant 0 : i32
      %get3A_256 = arith.index_cast %get3A_255 : i32 to index
      %get3A_257 = arith.index_cast %scan3A_254 : i32 to index
      %get3A_258 = arith.constant 0 : index
      %get3A_259 = tpu.vector_load %arg6[%get3A_256, %get3A_257, %get3A_258] {strides = array<i32>} : memref<2x200x64xf32, #tpu.memory_space<vmem>>, vector<16xf32>,
      %add3A_260 = arith.addf %add3A_234, %get3A_259 : vector<16xf32>
      %get3A_261 = arith.constant 0 : i32
      %get3A_262 = arith.index_cast %get3A_261 : i32 to index
      %get3A_263 = arith.index_cast %scan3A_254 : i32 to index
      %get3A_264 = arith.constant 16 : index
      %get3A_265 = tpu.vector_load %arg6[%get3A_262, %get3A_263, %get3A_264] {strides = array<i32>} : memref<2x200x64xf32, #tpu.memory_space<vmem>>, vector<16xf32>,
      %add3A_266 = arith.addf %add3A_240, %get3A_265 : vector<16xf32>
      %get3A_267 = arith.constant 0 : i32
      %get3A_268 = arith.index_cast %get3A_267 : i32 to index
      %get3A_269 = arith.index_cast %scan3A_254 : i32 to index
      %get3A_270 = arith.constant 32 : index
      %get3A_271 = tpu.vector_load %arg6[%get3A_268, %get3A_269, %get3A_270] {strides = array<i32>} : memref<2x200x64xf32, #tpu.memory_space<vmem>>, vector<16xf32>,
      %add3A_272 = arith.addf %add3A_246, %get3A_271 : vector<16xf32>
      %get3A_273 = arith.constant 0 : i32
      %get3A_274 = arith.index_cast %get3A_273 : i32 to index
      %get3A_275 = arith.index_cast %scan3A_254 : i32 to index
      %get3A_276 = arith.constant 48 : index
      %get3A_277 = tpu.vector_load %arg6[%get3A_274, %get3A_275, %get3A_276] {strides = array<i32>} : memref<2x200x64xf32, #tpu.memory_space<vmem>>, vector<16xf32>,
      %add3A_278 = arith.addf %add3A_252, %get3A_277 : vector<16xf32>
      scf.yield %add3A_260, %add3A_266, %add3A_272, %add3A_278 : vector<16xf32>, vector<16xf32>, vector<16xf32>, vector<16xf32>
    }
    %scan3A_103 = arith.constant 200 : i32
    %swap3A = arith.constant 126 : i32
    %swap3A_104 = arith.index_cast %swap3A : i32 to index
    %swap3A_105 = arith.constant 0 : index
    %swap3A_106 = tpu.vector_load %arg7[%swap3A_104, %swap3A_105] {strides = array<i32>} : memref<128x64xf32, #tpu.memory_space<vmem>>, vector<16xf32>,
    tpu.vector_store %arg7[%swap3A_104, %swap3A_105], %scan3A_102#0 {strides = array<i32>} : memref<128x64xf32, #tpu.memory_space<vmem>>, vector<16xf32>,
    %swap3A_107 = arith.constant 126 : i32
    %swap3A_108 = arith.index_cast %swap3A_107 : i32 to index
    %swap3A_109 = arith.constant 16 : index
    %swap3A_110 = tpu.vector_load %arg7[%swap3A_108, %swap3A_109] {strides = array<i32>} : memref<128x64xf32, #tpu.memory_space<vmem>>, vector<16xf32>,
    tpu.vector_store %arg7[%swap3A_108, %swap3A_109], %scan3A_102#1 {strides = array<i32>} : memref<128x64xf32, #tpu.memory_space<vmem>>, vector<16xf32>,
    %swap3A_111 = arith.constant 126 : i32
    %swap3A_112 = arith.index_cast %swap3A_111 : i32 to index
    %swap3A_113 = arith.constant 32 : index
    %swap3A_114 = tpu.vector_load %arg7[%swap3A_112, %swap3A_113] {strides = array<i32>} : memref<128x64xf32, #tpu.memory_space<vmem>>, vector<16xf32>,
    tpu.vector_store %arg7[%swap3A_112, %swap3A_113], %scan3A_102#2 {strides = array<i32>} : memref<128x64xf32, #tpu.memory_space<vmem>>, vector<16xf32>,
    %swap3A_115 = arith.constant 126 : i32
    %swap3A_116 = arith.index_cast %swap3A_115 : i32 to index
    %swap3A_117 = arith.constant 48 : index
    %swap3A_118 = tpu.vector_load %arg7[%swap3A_116, %swap3A_117] {strides = array<i32>} : memref<128x64xf32, #tpu.memory_space<vmem>>, vector<16xf32>,
    tpu.vector_store %arg7[%swap3A_116, %swap3A_117], %scan3A_102#3 {strides = array<i32>} : memref<128x64xf32, #tpu.memory_space<vmem>>, vector<16xf32>,
    %dma_wait3A_119 = arith.constant 127 : i32
    %dma_wait3A_120 = arith.constant 1 : i32
    %dma_wait3A_121 = arith.constant 1 : i32
    %dma_wait3A_122 = arith.constant 0 : i32
    %dma_wait3A_123 = arith.constant 0 : i32
    %dma_wait3A_124 = tpu.memref_slice %arg6[%dma_wait3A_120, %dma_wait3A_122, %dma_wait3A_123] : memref<2x200x64xf32, #tpu.memory_space<vmem>> -> memref<1x128x64xf32, #tpu.memory_space<vmem>>
    %dma_wait3A_125 = tpu.memref_squeeze %dma_wait3A_124 : memref<1x128x64xf32, #tpu.memory_space<vmem>> -> memref<128x64xf32, #tpu.memory_space<vmem>>
    %dma_wait3A_126 = arith.constant 0 : i32
    %dma_wait3A_127 = tpu.memref_slice %arg5[%dma_wait3A_119, %dma_wait3A_126] : memref<128x200xi32, #tpu.memory_space<vmem>> -> memref<1x128xi32, #tpu.memory_space<vmem>>
    %dma_wait3A_128 = tpu.memref_squeeze %dma_wait3A_127 : memref<1x128xi32, #tpu.memory_space<vmem>> -> memref<128xi32, #tpu.memory_space<vmem>>
    %dma_wait3A_129 = arith.constant 0 : i32
    %dma_wait3A_130 = arith.constant 0 : i32
    %dma_wait3A_131 = tpu.memref_slice %arg3[%dma_wait3A_129, %dma_wait3A_130] : memref<1000000x64xf32, #tpu.memory_space<hbm>> -> memref<1000000x64xf32, #tpu.memory_space<hbm>>
    %dma_wait3A_132 = tpu.memref_slice %arg8[%dma_wait3A_121] : memref<2x!tpu.dma_semaphore, #tpu.memory_space<semaphore_mem>> -> memref<1x!tpu.dma_semaphore, #tpu.memory_space<semaphore_mem>>
    %dma_wait3A_133 = tpu.memref_squeeze %dma_wait3A_132 : memref<1x!tpu.dma_semaphore, #tpu.memory_space<semaphore_mem>> -> memref<!tpu.dma_semaphore, #tpu.memory_space<semaphore_mem>>
    tpu.wait_indirect_dma semaphore(%dma_wait3A_133 : memref<!tpu.dma_semaphore, #tpu.memory_space<semaphore_mem>>) src(%dma_wait3A_131 : memref<1000000x64xf32, #tpu.memory_space<hbm>>) dst(%dma_wait3A_125 : memref<128x64xf32, #tpu.memory_space<vmem>>)
    %dma_wait3A_134 = arith.constant 127 : i32
    %dma_wait3A_135 = arith.constant 1 : i32
    %dma_wait3A_136 = arith.constant 1 : i32
    %dma_wait3A_137 = arith.constant 128 : i32
    %dma_wait3A_138 = arith.constant 0 : i32
    %dma_wait3A_139 = tpu.memref_slice %arg6[%dma_wait3A_135, %dma_wait3A_137, %dma_wait3A_138] : memref<2x200x64xf32, #tpu.memory_space<vmem>> -> memref<1x72x64xf32, #tpu.memory_space<vmem>>
    %dma_wait3A_140 = tpu.memref_squeeze %dma_wait3A_139 : memref<1x72x64xf32, #tpu.memory_space<vmem>> -> memref<72x64xf32, #tpu.memory_space<vmem>>
    %dma_wait3A_141 = arith.constant 128 : i32
    %dma_wait3A_142 = tpu.memref_slice %arg5[%dma_wait3A_134, %dma_wait3A_141] : memref<128x200xi32, #tpu.memory_space<vmem>> -> memref<1x72xi32, #tpu.memory_space<vmem>>
    %dma_wait3A_143 = tpu.memref_squeeze %dma_wait3A_142 : memref<1x72xi32, #tpu.memory_space<vmem>> -> memref<72xi32, #tpu.memory_space<vmem>>
    %dma_wait3A_144 = arith.constant 0 : i32
    %dma_wait3A_145 = arith.constant 0 : i32
    %dma_wait3A_146 = tpu.memref_slice %arg3[%dma_wait3A_144, %dma_wait3A_145] : memref<1000000x64xf32, #tpu.memory_space<hbm>> -> memref<1000000x64xf32, #tpu.memory_space<hbm>>
    %dma_wait3A_147 = tpu.memref_slice %arg8[%dma_wait3A_136] : memref<2x!tpu.dma_semaphore, #tpu.memory_space<semaphore_mem>> -> memref<1x!tpu.dma_semaphore, #tpu.memory_space<semaphore_mem>>
    %dma_wait3A_148 = tpu.memref_squeeze %dma_wait3A_147 : memref<1x!tpu.dma_semaphore, #tpu.memory_space<semaphore_mem>> -> memref<!tpu.dma_semaphore, #tpu.memory_space<semaphore_mem>>
    tpu.wait_indirect_dma semaphore(%dma_wait3A_148 : memref<!tpu.dma_semaphore, #tpu.memory_space<semaphore_mem>>) src(%dma_wait3A_146 : memref<1000000x64xf32, #tpu.memory_space<hbm>>) dst(%dma_wait3A_140 : memref<72x64xf32, #tpu.memory_space<vmem>>)
    %broadcast_in_dim3A_149 = arith.constant 0.000000e+00 : f32
    %broadcast_in_dim3A_150 = vector.broadcast %broadcast_in_dim3A_149 : f32 to vector<16xf32>
    %scan3A_151 = arith.constant 0 : i32
    %scan3A_152 = arith.constant 200 : i32
    %scan3A_153 = arith.addi %scan3A_151, %scan3A_152 : i32
    %scan3A_154 = arith.constant 4 : i32
    %scan3A_155:4 = scf.for %scan3A_173 = %scan3A_151 to %scan3A_153 step %scan3A_154 iter_args(%scan3A_174 = %broadcast_in_dim3A_150, %scan3A_175 = %broadcast_in_dim3A_150, %scan3A_176 = %broadcast_in_dim3A_150, %scan3A_177 = %broadcast_in_dim3A_150) -> (vector<16xf32>, vector<16xf32>, vector<16xf32>, vector<16xf32>)  : i32 {
      %get3A = arith.constant 1 : i32
      %get3A_178 = arith.index_cast %get3A : i32 to index
      %get3A_179 = arith.index_cast %scan3A_173 : i32 to index
      %get3A_180 = arith.constant 0 : index
      %get3A_181 = tpu.vector_load %arg6[%get3A_178, %get3A_179, %get3A_180] {strides = array<i32>} : memref<2x200x64xf32, #tpu.memory_space<vmem>>, vector<16xf32>,
      %add3A_182 = arith.addf %scan3A_174, %get3A_181 : vector<16xf32>
      %get3A_183 = arith.constant 1 : i32
      %get3A_184 = arith.index_cast %get3A_183 : i32 to index
      %get3A_185 = arith.index_cast %scan3A_173 : i32 to index
      %get3A_186 = arith.constant 16 : index
      %get3A_187 = tpu.vector_load %arg6[%get3A_184, %get3A_185, %get3A_186] {strides = array<i32>} : memref<2x200x64xf32, #tpu.memory_space<vmem>>, vector<16xf32>,
      %add3A_188 = arith.addf %scan3A_175, %get3A_187 : vector<16xf32>
      %get3A_189 = arith.constant 1 : i32
      %get3A_190 = arith.index_cast %get3A_189 : i32 to index
      %get3A_191 = arith.index_cast %scan3A_173 : i32 to index
      %get3A_192 = arith.constant 32 : index
      %get3A_193 = tpu.vector_load %arg6[%get3A_190, %get3A_191, %get3A_192] {strides = array<i32>} : memref<2x200x64xf32, #tpu.memory_space<vmem>>, vector<16xf32>,
      %add3A_194 = arith.addf %scan3A_176, %get3A_193 : vector<16xf32>
      %get3A_195 = arith.constant 1 : i32
      %get3A_196 = arith.index_cast %get3A_195 : i32 to index
      %get3A_197 = arith.index_cast %scan3A_173 : i32 to index
      %get3A_198 = arith.constant 48 : index
      %get3A_199 = tpu.vector_load %arg6[%get3A_196, %get3A_197, %get3A_198] {strides = array<i32>} : memref<2x200x64xf32, #tpu.memory_space<vmem>>, vector<16xf32>,
      %add3A_200 = arith.addf %scan3A_177, %get3A_199 : vector<16xf32>
      %scan3A_201 = arith.constant 1 : i32
      %scan3A_202 = arith.addi %scan3A_173, %scan3A_201 : i32
      %get3A_203 = arith.constant 1 : i32
      %get3A_204 = arith.index_cast %get3A_203 : i32 to index
      %get3A_205 = arith.index_cast %scan3A_202 : i32 to index
      %get3A_206 = arith.constant 0 : index
      %get3A_207 = tpu.vector_load %arg6[%get3A_204, %get3A_205, %get3A_206] {strides = array<i32>} : memref<2x200x64xf32, #tpu.memory_space<vmem>>, vector<16xf32>,
      %add3A_208 = arith.addf %add3A_182, %get3A_207 : vector<16xf32>
      %get3A_209 = arith.constant 1 : i32
      %get3A_210 = arith.index_cast %get3A_209 : i32 to index
      %get3A_211 = arith.index_cast %scan3A_202 : i32 to index
      %get3A_212 = arith.constant 16 : index
      %get3A_213 = tpu.vector_load %arg6[%get3A_210, %get3A_211, %get3A_212] {strides = array<i32>} : memref<2x200x64xf32, #tpu.memory_space<vmem>>, vector<16xf32>,
      %add3A_214 = arith.addf %add3A_188, %get3A_213 : vector<16xf32>
      %get3A_215 = arith.constant 1 : i32
      %get3A_216 = arith.index_cast %get3A_215 : i32 to index
      %get3A_217 = arith.index_cast %scan3A_202 : i32 to index
      %get3A_218 = arith.constant 32 : index
      %get3A_219 = tpu.vector_load %arg6[%get3A_216, %get3A_217, %get3A_218] {strides = array<i32>} : memref<2x200x64xf32, #tpu.memory_space<vmem>>, vector<16xf32>,
      %add3A_220 = arith.addf %add3A_194, %get3A_219 : vector<16xf32>
      %get3A_221 = arith.constant 1 : i32
      %get3A_222 = arith.index_cast %get3A_221 : i32 to index
      %get3A_223 = arith.index_cast %scan3A_202 : i32 to index
      %get3A_224 = arith.constant 48 : index
      %get3A_225 = tpu.vector_load %arg6[%get3A_222, %get3A_223, %get3A_224] {strides = array<i32>} : memref<2x200x64xf32, #tpu.memory_space<vmem>>, vector<16xf32>,
      %add3A_226 = arith.addf %add3A_200, %get3A_225 : vector<16xf32>
      %scan3A_227 = arith.constant 2 : i32
      %scan3A_228 = arith.addi %scan3A_173, %scan3A_227 : i32
      %get3A_229 = arith.constant 1 : i32
      %get3A_230 = arith.index_cast %get3A_229 : i32 to index
      %get3A_231 = arith.index_cast %scan3A_228 : i32 to index
      %get3A_232 = arith.constant 0 : index
      %get3A_233 = tpu.vector_load %arg6[%get3A_230, %get3A_231, %get3A_232] {strides = array<i32>} : memref<2x200x64xf32, #tpu.memory_space<vmem>>, vector<16xf32>,
      %add3A_234 = arith.addf %add3A_208, %get3A_233 : vector<16xf32>
      %get3A_235 = arith.constant 1 : i32
      %get3A_236 = arith.index_cast %get3A_235 : i32 to index
      %get3A_237 = arith.index_cast %scan3A_228 : i32 to index
      %get3A_238 = arith.constant 16 : index
      %get3A_239 = tpu.vector_load %arg6[%get3A_236, %get3A_237, %get3A_238] {strides = array<i32>} : memref<2x200x64xf32, #tpu.memory_space<vmem>>, vector<16xf32>,
      %add3A_240 = arith.addf %add3A_214, %get3A_239 : vector<16xf32>
      %get3A_241 = arith.constant 1 : i32
      %get3A_242 = arith.index_cast %get3A_241 : i32 to index
      %get3A_243 = arith.index_cast %scan3A_228 : i32 to index
      %get3A_244 = arith.constant 32 : index
      %get3A_245 = tpu.vector_load %arg6[%get3A_242, %get3A_243, %get3A_244] {strides = array<i32>} : memref<2x200x64xf32, #tpu.memory_space<vmem>>, vector<16xf32>,
      %add3A_246 = arith.addf %add3A_220, %get3A_245 : vector<16xf32>
      %get3A_247 = arith.constant 1 : i32
      %get3A_248 = arith.index_cast %get3A_247 : i32 to index
      %get3A_249 = arith.index_cast %scan3A_228 : i32 to index
      %get3A_250 = arith.constant 48 : index
      %get3A_251 = tpu.vector_load %arg6[%get3A_248, %get3A_249, %get3A_250] {strides = array<i32>} : memref<2x200x64xf32, #tpu.memory_space<vmem>>, vector<16xf32>,
      %add3A_252 = arith.addf %add3A_226, %get3A_251 : vector<16xf32>
      %scan3A_253 = arith.constant 3 : i32
      %scan3A_254 = arith.addi %scan3A_173, %scan3A_253 : i32
      %get3A_255 = arith.constant 1 : i32
      %get3A_256 = arith.index_cast %get3A_255 : i32 to index
      %get3A_257 = arith.index_cast %scan3A_254 : i32 to index
      %get3A_258 = arith.constant 0 : index
      %get3A_259 = tpu.vector_load %arg6[%get3A_256, %get3A_257, %get3A_258] {strides = array<i32>} : memref<2x200x64xf32, #tpu.memory_space<vmem>>, vector<16xf32>,
      %add3A_260 = arith.addf %add3A_234, %get3A_259 : vector<16xf32>
      %get3A_261 = arith.constant 1 : i32
      %get3A_262 = arith.index_cast %get3A_261 : i32 to index
      %get3A_263 = arith.index_cast %scan3A_254 : i32 to index
      %get3A_264 = arith.constant 16 : index
      %get3A_265 = tpu.vector_load %arg6[%get3A_262, %get3A_263, %get3A_264] {strides = array<i32>} : memref<2x200x64xf32, #tpu.memory_space<vmem>>, vector<16xf32>,
      %add3A_266 = arith.addf %add3A_240, %get3A_265 : vector<16xf32>
      %get3A_267 = arith.constant 1 : i32
      %get3A_268 = arith.index_cast %get3A_267 : i32 to index
      %get3A_269 = arith.index_cast %scan3A_254 : i32 to index
      %get3A_270 = arith.constant 32 : index
      %get3A_271 = tpu.vector_load %arg6[%get3A_268, %get3A_269, %get3A_270] {strides = array<i32>} : memref<2x200x64xf32, #tpu.memory_space<vmem>>, vector<16xf32>,
      %add3A_272 = arith.addf %add3A_246, %get3A_271 : vector<16xf32>
      %get3A_273 = arith.constant 1 : i32
      %get3A_274 = arith.index_cast %get3A_273 : i32 to index
      %get3A_275 = arith.index_cast %scan3A_254 : i32 to index
      %get3A_276 = arith.constant 48 : index
      %get3A_277 = tpu.vector_load %arg6[%get3A_274, %get3A_275, %get3A_276] {strides = array<i32>} : memref<2x200x64xf32, #tpu.memory_space<vmem>>, vector<16xf32>,
      %add3A_278 = arith.addf %add3A_252, %get3A_277 : vector<16xf32>
      scf.yield %add3A_260, %add3A_266, %add3A_272, %add3A_278 : vector<16xf32>, vector<16xf32>, vector<16xf32>, vector<16xf32>
    }
    %scan3A_156 = arith.constant 200 : i32
    %swap3A_157 = arith.constant 127 : i32
    %swap3A_158 = arith.index_cast %swap3A_157 : i32 to index
    %swap3A_159 = arith.constant 0 : index
    %swap3A_160 = tpu.vector_load %arg7[%swap3A_158, %swap3A_159] {strides = array<i32>} : memref<128x64xf32, #tpu.memory_space<vmem>>, vector<16xf32>,
    tpu.vector_store %arg7[%swap3A_158, %swap3A_159], %scan3A_155#0 {strides = array<i32>} : memref<128x64xf32, #tpu.memory_space<vmem>>, vector<16xf32>,
    %swap3A_161 = arith.constant 127 : i32
    %swap3A_162 = arith.index_cast %swap3A_161 : i32 to index
    %swap3A_163 = arith.constant 16 : index
    %swap3A_164 = tpu.vector_load %arg7[%swap3A_162, %swap3A_163] {strides = array<i32>} : memref<128x64xf32, #tpu.memory_space<vmem>>, vector<16xf32>,
    tpu.vector_store %arg7[%swap3A_162, %swap3A_163], %scan3A_155#1 {strides = array<i32>} : memref<128x64xf32, #tpu.memory_space<vmem>>, vector<16xf32>,
    %swap3A_165 = arith.constant 127 : i32
    %swap3A_166 = arith.index_cast %swap3A_165 : i32 to index
    %swap3A_167 = arith.constant 32 : index
    %swap3A_168 = tpu.vector_load %arg7[%swap3A_166, %swap3A_167] {strides = array<i32>} : memref<128x64xf32, #tpu.memory_space<vmem>>, vector<16xf32>,
    tpu.vector_store %arg7[%swap3A_166, %swap3A_167], %scan3A_155#2 {strides = array<i32>} : memref<128x64xf32, #tpu.memory_space<vmem>>, vector<16xf32>,
    %swap3A_169 = arith.constant 127 : i32
    %swap3A_170 = arith.index_cast %swap3A_169 : i32 to index
    %swap3A_171 = arith.constant 48 : index
    %swap3A_172 = tpu.vector_load %arg7[%swap3A_170, %swap3A_171] {strides = array<i32>} : memref<128x64xf32, #tpu.memory_space<vmem>>, vector<16xf32>,
    tpu.vector_store %arg7[%swap3A_170, %swap3A_171], %scan3A_155#3 {strides = array<i32>} : memref<128x64xf32, #tpu.memory_space<vmem>>, vector<16xf32>,
    "tpu.region"() ({
      %run_scoped3A = tpu.sem_alloc : memref<!tpu.dma_semaphore, #tpu.memory_space<semaphore_mem>>
      %dma_start3A_173 = arith.constant 0 : i32
      %dma_start3A_174 = tpu.memref_slice %arg4[%mul3A_2, %dma_start3A_173] : memref<4096x64xf32, #tpu.memory_space<hbm>> -> memref<128x64xf32, #tpu.memory_space<hbm>>
      %dma_start3A_175 = arith.constant 0 : i32
      %dma_start3A_176 = tpu.memref_slice %arg4[%mul3A_2, %dma_start3A_175] : memref<4096x64xf32, #tpu.memory_space<hbm>> -> memref<128x64xf32, #tpu.memory_space<hbm>>
      tpu.enqueue_dma source(%arg7 : memref<128x64xf32, #tpu.memory_space<vmem>>) target(%dma_start3A_176 : memref<128x64xf32, #tpu.memory_space<hbm>>) target_semaphore(%run_scoped3A : memref<!tpu.dma_semaphore, #tpu.memory_space<semaphore_mem>>)
      %dma_wait3A_177 = arith.constant 0 : i32
      %dma_wait3A_178 = tpu.memref_slice %arg4[%mul3A_2, %dma_wait3A_177] : memref<4096x64xf32, #tpu.memory_space<hbm>> -> memref<128x64xf32, #tpu.memory_space<hbm>>
      %dma_wait3A_179 = arith.constant 0 : i32
      %dma_wait3A_180 = tpu.memref_slice %arg4[%mul3A_2, %dma_wait3A_179] : memref<4096x64xf32, #tpu.memory_space<hbm>> -> memref<128x64xf32, #tpu.memory_space<hbm>>
      tpu.wait_dma2 semaphore(%run_scoped3A : memref<!tpu.dma_semaphore, #tpu.memory_space<semaphore_mem>>) src(%arg7 : memref<128x64xf32, #tpu.memory_space<vmem>>) dst(%dma_wait3A_180 : memref<128x64xf32, #tpu.memory_space<hbm>>)
      tpu.yield
    }) : () -> ()
    return
  }
}

</mosaic_0001>

<sc_bundles>
// kernel: _sc_sums.3.cloned.1.call-start
scs
__scs_entry_jumppad:
0x0: {  	(pc) =	sbr.rel $0x88, $3  }
0x1: {  	(tag) =	ssettag $0x0;
	lr =	simm.s32 $0x1  }
0x2: {  	[smem:$0x3F9F] =	sst lr;
	_ =	strace $0xD0000000  }
0x3: {  	_ = 	snop  }
0x4: {  	_ = 	snop  }
0x5: {  	_ = 	snop  }
0x6: {  	_ = 	snop  }
0x7: {  	_ = 	snop  }
__scs_overlays_trampoline_lowered:
0x8: {  	[smem:$0x3FAE] =	sst s0  }
0x9: {  	[smem:$0x3FAF] =	sst s1  }
0xa: {  	[smem:$0x3FB0] =	sst s2  }
0xb: {  	[smem:$0x3FB1] =	sst s3  }
0xc: {  	[smem:$0x3FB2] =	sst s4  }
0xd: {  	[smem:$0x3FB3] =	sst s5  }
0xe: {  	[smem:$0x3FB4] =	sst s6  }
0xf: {  	[smem:$0x3FB5] =	sst s7  }
0x10: {  	[smem:$0x3FB6] =	sst s8  }
0x11: {  	[smem:$0x3FB7] =	sst s9;
	s0 =	simm.s32 @!p0 $0x0  }
0x12: {  	s1 =	sld [smem:$0x3F9D];
	s0 =	simm.s32 @p0 $0x1  }
0x13: {  	[smem:$0x3FB8] =	sst s0;
	s0 =	simm.s32 @!p1 $0x0  }
0x14: {  	s2 =	sld [smem:$0x3F9C];
	s0 =	simm.s32 @p1 $0x1  }
0x15: {  	[smem:$0x3FB9] =	sst s0;
	s0 =	simm.s32 @!p2 $0x0  }
0x16: {  	s3 =	sld [smem:$0x3FDB];
	s0 =	simm.s32 @p2 $0x1  }
0x17: {  	s4 =	simm.s32 $0x1BF5;
	[smem:$0x3FBB] =	sst s0  }
0x18: {  	s0 =	sld [smem:$0x3F9E];
	_ =	swait.ge [sflag:s4], $0x0  }
0x19: {  	s7 =	sld [smem:$0x3F9F]  }
0x1a: {  	s8 =	sadd.s32 $0xFFFFE003, lr  }
0x1b: {  	s9 =	sadd.s32 $0xFFFFFEF7, lr;
	s5 =	simm.s32 $0xFFFFFFFF;
	p2 =	slt.u32 s8, $0xFFFFF086  }
0x1c: {  	p1 =	slt.u32 s9, $0xF7A;
	s5 =	simm.s32 @!p2 $0x0  }
0x1d: {  	s5 =	simm.s32 @p1 $0x1;
	p0 =	seq.s32 s7, s2  }
0x1e: {  	s7 =	smul.u32 @!p0 $0xF7A, s2;
	p2 =	seq.s32 @!p0 s5, $0x0  }
0x1f: {  	s9 =	smul.u32 $0xF7A, s1;
	s8 =	simm.s32 @!p0 $0x1BF5;
	p2 =	por !p2, p0  }
0x20: {  	[sflag:s8] =	ssyncset.s32 @!p0 $0xFFFFF086;
	s6 =	sadd.s32 @!p0 s3, s7;
	s7 =	simm.s32 @!p0 $0x108  }
0x21: {  	s3 =	sadd.s32 s3, s9;
	s6 =	sadd.s32 @!p0 $0x88, s6;
	s7 =	simm.s32 @p2 $0x1082  }
0x22: {  	[simem:s7], [sflag:s8] =	dma.local @!p0 [hbm:s6], $0xF7A  }
0x23: {  	s9 =	sor.u32 $0xD0000000, s2;
	s6 =	simm.s32 $0x108;
	_ =	swait.ge @!p0 [sflag:s8], $0x0  }
0x24: {  	s3 =	sadd.s32 $0x88, s3;
	s6 =	simm.s32 @!p1 $0x1082;
	[sflag:s4] =	ssyncset.s32 $0xFFFFF086  }
0x25: {  	[simem:s6], [sflag:s4] =	dma.local [hbm:s3], $0xF7A  }
0x26: {  	[smem:$0x3F9F] =	sst s1;
	(tag) =	ssettag s2;
	_ =	strace s9  }
0x27: {  	s1 =	sld [smem:$0x3FAF]  }
0x28: {  	s2 =	sld [smem:$0x3FB0]  }
0x29: {  	s4 =	sld [smem:$0x3FB2]  }
0x2a: {  	p0 =	seq.s32 s5, $0x0;
	s5 =	sld [smem:$0x3FB3]  }
0x2b: {  	s6 =	sld [smem:$0x3FB4]  }
0x2c: {  	s7 =	sld [smem:$0x3FB5]  }
0x2d: {  	s3 =	simm.s32 $0x108;
	s8 =	sld [smem:$0x3FB6]  }
0x2e: {  	s3 =	simm.s32 @!p0 $0x1082;
	s9 =	sld [smem:$0x3FB7]  }
0x2f: {  	lr =	sadd.s32 s0, s3;
	s0 =	sld [smem:$0x3FAE]  }
0x30: {  	s3 =	sld [smem:$0x3FB1]  }
0x31: {  	[smem:$0x3FBA] =	sst s10  }
0x32: {  	s10 =	sld [smem:$0x3FB8];
	_ =	sdelay $0x3  }
0x33: {  	p0 =	seq.s32 s10, $0x1;
	s10 =	sld [smem:$0x3FBA];
	_ =	sdelay $0x3  }
0x34: {  	[smem:$0x3FBA] =	sst s10  }
0x35: {  	s10 =	sld [smem:$0x3FB9];
	_ =	sdelay $0x3  }
0x36: {  	p1 =	seq.s32 s10, $0x1;
	s10 =	sld [smem:$0x3FBA];
	_ =	sdelay $0x3  }
0x37: {  	[smem:$0x3FBA] =	sst s10  }
0x38: {  	s10 =	sld [smem:$0x3FBB]  }
0x39: {  	_ = 	snop;
	(pc) =	sbr.ind lr, $3  }
0x3a: {  	_ = 	snop  }
0x3b: {  	_ = 	snop  }
0x3c: {  	p2 =	seq.s32 s10, $0x1;
	s10 =	sld [smem:$0x3FBA]  }
0x3d: {  	_ =	shalt  }
0x3e: {  	_ =	shalt  }
0x3f: {  	_ =	shalt  }
0x40: {  	_ =	shalt  }
0x41: {  	_ =	shalt  }
0x42: {  	_ =	shalt  }
0x43: {  	_ =	shalt  }
0x44: {  	_ =	shalt  }
0x45: {  	_ =	shalt  }
0x46: {  	_ =	shalt  }
0x47: {  	_ =	shalt  }
0x48: {  	_ =	shalt  }
0x49: {  	_ =	shalt  }
0x4a: {  	_ =	shalt  }
0x4b: {  	_ =	shalt  }
0x4c: {  	_ =	shalt  }
0x4d: {  	_ =	shalt  }
0x4e: {  	_ =	shalt  }
0x4f: {  	_ =	shalt  }
0x50: {  	_ =	shalt  }
0x51: {  	_ =	shalt  }
0x52: {  	_ =	shalt  }
0x53: {  	_ =	shalt  }
0x54: {  	_ =	shalt  }
0x55: {  	_ =	shalt  }
0x56: {  	_ =	shalt  }
0x57: {  	_ =	shalt  }
0x58: {  	_ =	shalt  }
0x59: {  	_ =	shalt  }
0x5a: {  	_ =	shalt  }
0x5b: {  	_ =	shalt  }
0x5c: {  	_ =	shalt  }
0x5d: {  	_ =	shalt  }
0x5e: {  	_ =	shalt  }
0x5f: {  	_ =	shalt  }
0x60: {  	_ =	shalt  }
0x61: {  	_ =	shalt  }
0x62: {  	_ =	shalt  }
0x63: {  	_ =	shalt  }
0x64: {  	_ =	shalt  }
0x65: {  	_ =	shalt  }
0x66: {  	_ =	shalt  }
0x67: {  	_ =	shalt  }
0x68: {  	_ =	shalt  }
0x69: {  	_ =	shalt  }
0x6a: {  	_ =	shalt  }
0x6b: {  	_ =	shalt  }
0x6c: {  	_ =	shalt  }
0x6d: {  	_ =	shalt  }
0x6e: {  	_ =	shalt  }
0x6f: {  	_ =	shalt  }
0x70: {  	_ =	shalt  }
0x71: {  	_ =	shalt  }
0x72: {  	_ =	shalt  }
0x73: {  	_ =	shalt  }
0x74: {  	_ =	shalt  }
0x75: {  	_ =	shalt  }
0x76: {  	_ =	shalt  }
0x77: {  	_ =	shalt  }
0x78: {  	_ =	shalt  }
0x79: {  	_ =	shalt  }
0x7a: {  	_ =	shalt  }
0x7b: {  	_ =	shalt  }
0x7c: {  	_ =	shalt  }
0x7d: {  	_ =	shalt  }
0x7e: {  	_ =	shalt  }
0x7f: {  	_ =	shalt  }
0x80: {  	_ =	shalt  }
0x81: {  	_ =	shalt  }
0x82: {  	_ =	shalt  }
0x83: {  	_ =	shalt  }
0x84: {  	_ =	shalt  }
0x85: {  	_ =	shalt  }
0x86: {  	_ =	shalt  }
0x87: {  	_ =	shalt  }
.Lfunc_end0:
.L_simem_size_0:
called_computation_lowered:
.L_overlay_start_0:
0x88: {  	s2 =	sld [smem:$0x3FD9]  }
0x89: {  	s3 =	sld [smem:$0x3FFE];
	_ =	sdelay $0x1  }
0x8a: {  	s1 =	srdreg.scid  }
0x8b: {  	s0 =	sand.u32 $0x1, s1  }
0x8c: {  	s17 =	sshll.u32 s0, $0xA;
	s2 =	sadd.s32 s3, s2  }
0x8d: {  	s2 =	sadd.s32 s2, s17  }
0x8e: {  	[smem:$0x3FC6] =	sst s2  }
0x8f: {  	_ = 	snop  }
0x90: {  	s2 =	sld [smem:$0x3FD0];
	(tm) =	ssettm $0x1  }
0x91: {  	s18 =	sld [smem:$0x3FFB];
	_ =	sdelay $0x3  }
0x92: {  	_ =	strace s18  }
0x93: {  	s3 =	sld [smem:$0x3FFC];
	_ =	sdelay $0x3  }
0x94: {  	_ =	strace s3  }
0x95: {  	s3 =	sld [smem:$0x3FFD];
	_ =	sdelay $0x3  }
0x96: {  	_ =	strace s3  }
0x97: {  	_ =	strace $0x8FFFFFFF  }
0x98: {  	s19 =	sld [smem:$0x3FDB];
	_ =	sdelay $0x1  }
0x99: {  	s4 =	simm.s32 $_scs_section_size  }
0x9a: {  	s5 =	simm.s32 $_size__tile_overlayer_lowered;
	s6 =	simm.s32 $_tile_overlayer_lowered  }
0x9b: {  	s22 =	simm.s32 $0x1BFF;
	s21 =	sshll.u32 s6, $0x1;
	s3 =	sadd.s32 s4, s19  }
0x9c: {  	s7 =	simm.s32 $0x0;
	s20 =	sshll.u32 s5, $0x1;
	s5 =	sadd.s32 s21, s3  }
0x9d: {  	[timem:s7], [sflag:s22] =	dma.local [hbm:s5], s20  }
0x9e: {  	_ =	swait.ge [sflag:s22], s20  }
0x9f: {  	s4 =	ssub.s32 $0x0, s20;
	[sflag:s22] =	ssyncset.done $0x0  }
0xa0: {  	[sflag:s22] =	ssyncadd.s32 s4;
	_ =	sdelay $0x1  }
0xa1: {  	s23 =	simm.s32 $0x1B8B  }
0xa2: {  	_ =	swait.ge [sflag:s23], $0x1  }
0xa3: {  	[sflag:s23] =	ssyncset.done $0x0  }
0xa4: {  	s25 =	simm.s32 $0x1B8E;
	s24 =	sld [smem:$0x3FFE];
	[sflag:s23] =	ssyncadd.s32 $0xFFFFFFFF  }
0xa5: {  	s26 =	simm.s32 $execute0_lowered;
	[smem:$0x3FD2] =	sst s25  }
0xa6: {  	s5 =	sshll.u32 s26, $0x1;
	_ =	strace $0x80000046;
	[dreg:$0x1] =	wrdreg $0xFFFFFFFF  }
0xa7: {  	s28 =	simm.s32 $_size_execute0_lowered;
	s3 =	sadd.s32 s3, s5;
	[dreg:$0x0] =	wrdreg $0x0  }
0xa8: {  	s5 =	sshll.u32 s28, $0x1;
	[dreg:$0x2] =	wrdreg s3  }
0xa9: {  	[dreg:$0x3] =	wrdreg s5  }
0xaa: {  	[dreg:$0x4] =	wrdreg $0xC0  }
0xab: {  	_ =	task [dreg:s7], $0x5FFFF  }
0xac: {  	[dreg:$0x1] =	wrdreg $0xFFFFFFFF  }
0xad: {  	[dreg:$0x0] =	wrdreg $0x60  }
0xae: {  	[dreg:$0x2] =	wrdreg s24  }
0xaf: {  	[dreg:$0x3] =	wrdreg s2  }
0xb0: {  	[dreg:$0x4] =	wrdreg $0x9  }
0xb1: {  	_ =	task.clear_ibuf [dreg:s7], $0x5FFFF;
	_ =	strace $0x90000046  }
0xb2: {  	s29 =	simm.s32 $0x9;
	_ =	strace $0x80000048  }
0xb3: {  	_ =	swait.ge [sflag:s29], $0x1  }
0xb4: {  	[sflag:s29] =	ssyncadd.s32 $0xFFFFFFFF  }
0xb5: {  	_ =	strace $0x90000048  }
0xb6: {  	_ =	sfence  }
0xb7: {  	s30 =	sld [smem:$0x0];
	_ =	sdelay $0x2  }
0xb8: {  	s31 =	sshll.u32 s1, $0xD;
	s1 =	sshrl.u32 s1, $0x2  }
0xb9: {  	s3 =	sand.u32 $0x4000, s31;
	s1 =	sadd.s32 s1, s30  }
0xba: {  	s0 =	sor.u32 s3, s0;
	s1 =	sshll.u32 s1, $0x11  }
0xbb: {  	s0 =	sor.u32 s1, s0  }
0xbc: {  	s0 =	sadd.s32 $0x8F2B, s0  }
0xbd: {  	[sflag:s0] =	ssyncadd.remote.s32 $0x1  }
0xbe: {  	_ =	sfence.sel $0xFFFF  }
0xbf: {  	[dreg:$0x0] =	wrdreg $0xFFFFFFFF;
	(pc) =	sbr.abs _section_cstart, $3  }
0xc0: {  	[dreg:$0x1] =	wrdreg $0xFFFFFFFF  }
0xc1: {  	_ =	task.clear_ibuf [dreg:s7], $0x2FFFF;
	_ =	strace $0x9FFFFFFF  }
0xc2: {  	(tm) =	ssettm $0x7FFFFFFF  }
0xc3: {  	_ =	shalt  }
tec
execute0_lowered:
.L_overlay_start_1:
0x0: {  	(tag) =	ssettag $0x1  }
0x1: {  	s1 =	srdreg.scid;
	s3 =	rddreg [dreg:$0x0]  }
0x2: {  	s0 =	stileid.u32;
	s5 =	rddreg [dreg:$0x1];
	s2 =	simm.s32 $0x0  }
0x3: {  	s9 =	simm.s32 $0x6400;
	s10 =	simm.s32 $0x48;
	s11 =	simm.s32 $0x8400  }
0x4: {  	s12 =	simm.s32 $0xC8;
	s13 =	simm.s32 $0x9600;
	s14 =	simm.s32 $0x148  }
0x5: {  	s15 =	simm.s32 $0xB600;
	s16 =	simm.s32 $0x1;
	s17 =	simm.s32 $0x2  }
0x6: {  	s18 =	simm.s32 $0xC800;
	s19 =	simm.s32 $0x0;
	s4 =	sand.u32 $0x1, s1  }
0x7: {  	s6 =	sshll.u32 s0, $0x8;
	s1 =	rddreg [dreg:$0x2];
	s7 =	sshll.u32 s4, $0x7  }
0x8: {  	[smem:$0x7FF] =	sst s2;
	s4 =	ssub.s32 $0x2, s4;
	s6 =	sor.u32 s7, s6  }
0x9: {  	s8 =	sshrl.u32 s4, $0x1;
	s7 =	smul.u32 $0x19, s6;
	s6 =	sshll.u32 s6, $0x3  }
0xa: {  	_ =	strace $0x80000047;
	s8 =	ssub.s32 s4, s8;
	s5 =	sadd.s32 s5, s6  }
0xb: {  	s6 =	smax.u32 s8, $0x1;
	s8 =	simm.s32 $0x80;
	s7 =	sadd.s32 s7, s3  }
0xc: {  	s3 =	sadd.s32 $0xF42A00, s3;
	s4 =	sadd.s32 $0x600, s7;
	s7 =	simm.s32 $0x3  }
.LBB2_1:
0xd: {  	[tilespmem:s2], [sflag:$0x3] =	stream.linear.gather [hbm4b:s4+s2], $0x6400, $0x38;
	[tilespmem:$0xE800] =	vst v63  }
0xe: {  	_ =	swait.ge [sflag:s7], $0x6400  }
0xf: {  	[sflag:s7] =	ssyncset.done $0x0  }
0x10: {  	[sflag:s7] =	ssyncadd.s32 $0xFFFF9C00  }
0x11: {  	[tilespmem:s9], [sflag:$0x1] =	stream.indirect.gather [hbm4b:s3+s8], $0x40, s2, s8, $0xb8;
	[tilespmem:$0xE800] =	vst v63  }
0x12: {  	_ = 	snop  }
0x13: {  	[tilespmem:s11], [sflag:$0x1] =	stream.indirect.gather [hbm4b:s3+s10], $0x40, s8, s10, $0xb8;
	[tilespmem:$0xE800] =	vst v63  }
0x14: {  	_ = 	snop  }
0x15: {  	[tilespmem:s13], [sflag:$0x2] =	stream.indirect.gather [hbm4b:s3+s8], $0x40, s12, s8, $0xb8;
	[tilespmem:$0xE800] =	vst v63  }
0x16: {  	s20 =	simm.s32 $0x0  }
0x17: {  	[tilespmem:s15], [sflag:$0x2] =	stream.indirect.gather [hbm4b:s3+s10], $0x40, s14, s10, $0xb8;
	[tilespmem:$0xE800] =	vst v63  }
.LBB2_2:
0x18: {  	_ =	swait.ge [sflag:s16], $0x2000  }
0x19: {  	[sflag:s16] =	ssyncset.done $0x0  }
0x1a: {  	s21 =	smul.u32 $0x640, s20;
	[sflag:s16] =	ssyncadd.s32 $0xFFFFE000  }
0x1b: {  	_ =	swait.ge [sflag:s16], $0x1200  }
0x1c: {  	s22 =	sshra.s32 s21, $0x2;
	[sflag:s16] =	ssyncset.done $0x0  }
0x1d: {  	s21 =	sadd.s32 $0x190, s22;
	[sflag:s16] =	ssyncadd.s32 $0xFFFFEE00  }
0x1e: {  	[tilespmem:s9], [sflag:$0x1] =	stream.indirect.gather [hbm4b:s3+s8], $0x40, s21, s8, $0xb8;
	[tilespmem:$0xE800] =	vst v63  }
0x1f: {  	s23 =	simm.s32 $0x6480;
	s31 =	sadd.s32 $0x210, s22  }
0x20: {  	[tilespmem:s11], [sflag:$0x1] =	stream.indirect.gather [hbm4b:s3+s10], $0x40, s31, s10, $0xb8;
	[tilespmem:$0xE800] =	vst v63  }
0x21: {  	v0 =	vld [tilespmem:s23+$0x40]  }
0x22: {  	v1 =	vld [tilespmem:s23+$0x50]  }
0x23: {  	v2 =	vld [tilespmem:s23+$0x0]  }
0x24: {  	v3 =	vld [tilespmem:s23+$0x10]  }
0x25: {  	v9 =	vld [tilespmem:s23+$0xFFFFFFC0]  }
0x26: {  	v12 =	vld [tilespmem:s23+$0xFFFFFFD0]  }
0x27: {  	v5 =	vld [tilespmem:s23+$0xFFFFFF80]  }
0x28: {  	v6 =	vld [tilespmem:s23+$0xFFFFFF90]  }
0x29: {  	v10 =	vld [tilespmem:s23+$0xFFFFFFA0]  }
0x2a: {  	v13 =	vld [tilespmem:s23+$0xFFFFFFB0]  }
0x2b: {  	v7 =	vld [tilespmem:s23+$0xFFFFFFE0]  }
0x2c: {  	v8 =	vld [tilespmem:s23+$0xFFFFFFF0]  }
0x2d: {  	v14 =	vimm.f32 $0.0e+00;
	v4 =	vld [tilespmem:s23+$0x20]  }
0x2e: {  	v15 =	vadd.f32 v5, v14;
	v16 =	vadd.f32 v6, v14;
	v6 =	vld [tilespmem:s23+$0x30]  }
0x2f: {  	v11 =	vadd.f32 v10, v14;
	v10 =	vadd.f32 v13, v14;
	v5 =	vld [tilespmem:s23+$0x60]  }
0x30: {  	s21 =	simm.s32 $0x0;
	v13 =	vadd.f32 v9, v15;
	v12 =	vadd.f32 v12, v16;
	v9 =	vld [tilespmem:s23+$0x70];
	s23 =	simm.s32 $0x6580  }
.LBB2_3:
0x31: {  	v14 =	vld [tilespmem:s23+$0x40];
	v7 =	vadd.f32 v7, v11;
	v8 =	vadd.f32 v8, v10  }
0x32: {  	v10 =	vld [tilespmem:s23+$0x50];
	v11 =	vadd.f32 v2, v13;
	v12 =	vadd.f32 v3, v12  }
0x33: {  	v2 =	vld [tilespmem:s23+$0x0];
	v4 =	vadd.f32 v4, v7;
	v6 =	vadd.f32 v6, v8  }
0x34: {  	v3 =	vld [tilespmem:s23+$0x10];
	v11 =	vadd.f32 v0, v11;
	v12 =	vadd.f32 v1, v12  }
0x35: {  	v13 =	vld [tilespmem:s23+$0xFFFFFFC0];
	v5 =	vadd.f32 v5, v4;
	v9 =	vadd.f32 v9, v6  }
0x36: {  	v15 =	vld [tilespmem:s23+$0xFFFFFFD0];
	v0 =	vmov v14  }
0x37: {  	v6 =	vld [tilespmem:s23+$0xFFFFFF80];
	v1 =	vmov v10  }
0x38: {  	v10 =	vld [tilespmem:s23+$0xFFFFFF90]  }
0x39: {  	v14 =	vld [tilespmem:s23+$0xFFFFFFA0]  }
0x3a: {  	s21 =	sadd.s32 $0x4, s21;
	v16 =	vld [tilespmem:s23+$0xFFFFFFB0]  }
0x3b: {  	p0 =	slt.u32 s21, $0xC4;
	v7 =	vld [tilespmem:s23+$0xFFFFFFE0]  }
.Ltmp0:
0x3c: {  	v8 =	vld [tilespmem:s23+$0xFFFFFFF0];
	(pc) =	sbr.rel @p0 .LBB2_3-.Ltmp0, $4  }
0x3d: {  	v4 =	vld [tilespmem:s23+$0x20]  }
0x3e: {  	v17 =	vadd.f32 v6, v11;
	v12 =	vadd.f32 v10, v12;
	v6 =	vld [tilespmem:s23+$0x30]  }
0x3f: {  	v11 =	vadd.f32 v14, v5;
	v10 =	vadd.f32 v16, v9;
	v5 =	vld [tilespmem:s23+$0x60]  }
0x40: {  	v13 =	vadd.f32 v13, v17;
	v12 =	vadd.f32 v15, v12;
	v9 =	vld [tilespmem:s23+$0x70];
	s23 =	sadd.s32 $0x100, s23  }
0x41: {  	_ = 	snop  }
0x42: {  	v7 =	vadd.f32 v7, v11;
	v2 =	vadd.f32 v2, v13  }
0x43: {  	v8 =	vadd.f32 v8, v10;
	v3 =	vadd.f32 v3, v12  }
0x44: {  	s21 =	sshll.u32 s20, $0x7;
	v4 =	vadd.f32 v4, v7;
	v0 =	vadd.f32 v0, v2  }
0x45: {  	s21 =	sand.u32 $0x3FFFFF80, s21;
	v2 =	vadd.f32 v6, v8;
	v1 =	vadd.f32 v1, v3  }
0x46: {  	v3 =	vadd.f32 v5, v4;
	[tilespmem:s21+$0xC800] =	vst v0  }
0x47: {  	v0 =	vadd.f32 v9, v2;
	[tilespmem:s21+$0xC810] =	vst v1  }
0x48: {  	[tilespmem:s21+$0xC820] =	vst v3  }
0x49: {  	[tilespmem:s21+$0xC830] =	vst v0  }
0x4a: {  	_ =	swait.ge [sflag:s17], $0x2000  }
0x4b: {  	[sflag:s17] =	ssyncset.done $0x0  }
0x4c: {  	[sflag:s17] =	ssyncadd.s32 $0xFFFFE000  }
0x4d: {  	_ =	swait.ge [sflag:s17], $0x1200  }
0x4e: {  	[sflag:s17] =	ssyncset.done $0x0  }
0x4f: {  	s23 =	sadd.s32 $0x258, s22;
	[sflag:s17] =	ssyncadd.s32 $0xFFFFEE00  }
0x50: {  	[tilespmem:s13], [sflag:$0x2] =	stream.indirect.gather [hbm4b:s3+s8], $0x40, s23, s8, $0xb8;
	[tilespmem:$0xE800] =	vst v63  }
0x51: {  	s30 =	sadd.s32 $0x2D8, s22;
	s31 =	simm.s32 $0x96F0  }
0x52: {  	[tilespmem:s15], [sflag:$0x2] =	stream.indirect.gather [hbm4b:s3+s10], $0x40, s30, s10, $0xb8;
	[tilespmem:$0xE800] =	vst v63  }
0x53: {  	v0 =	vld [tilespmem:s31+$0xFFFFFFD0]  }
0x54: {  	v1 =	vld [tilespmem:s31+$0xFFFFFFE0]  }
0x55: {  	v2 =	vld [tilespmem:s31+$0xFFFFFF90]  }
0x56: {  	v3 =	vld [tilespmem:s31+$0xFFFFFFA0]  }
0x57: {  	v9 =	vld [tilespmem:s31+$0xFFFFFF50]  }
0x58: {  	v12 =	vld [tilespmem:s31+$0xFFFFFF60]  }
0x59: {  	v5 =	vld [tilespmem:s31+$0xFFFFFF10]  }
0x5a: {  	v7 =	vld [tilespmem:s31+$0xFFFFFF20]  }
0x5b: {  	v10 =	vld [tilespmem:s31+$0xFFFFFF30]  }
0x5c: {  	v13 =	vld [tilespmem:s31+$0xFFFFFF40]  }
0x5d: {  	v6 =	vld [tilespmem:s31+$0xFFFFFF70]  }
0x5e: {  	v8 =	vld [tilespmem:s31+$0xFFFFFF80]  }
0x5f: {  	v14 =	vimm.f32 $0.0e+00;
	v4 =	vld [tilespmem:s31+$0xFFFFFFB0]  }
0x60: {  	v15 =	vadd.f32 v5, v14;
	v16 =	vadd.f32 v7, v14;
	v7 =	vld [tilespmem:s31+$0xFFFFFFC0]  }
0x61: {  	v11 =	vadd.f32 v10, v14;
	v10 =	vadd.f32 v13, v14;
	v5 =	vld [tilespmem:s31+$0xFFFFFFF0]  }
0x62: {  	s22 =	simm.s32 $0x0;
	s23 =	simm.s32 $0x97F0;
	v13 =	vadd.f32 v9, v15;
	v12 =	vadd.f32 v12, v16;
	v9 =	vld [tilespmem:s31+$0x0]  }
.LBB2_5:
0x63: {  	v14 =	vld [tilespmem:s23+$0xFFFFFFD0];
	v6 =	vadd.f32 v6, v11;
	v8 =	vadd.f32 v8, v10  }
0x64: {  	v10 =	vld [tilespmem:s23+$0xFFFFFFE0];
	v11 =	vadd.f32 v2, v13;
	v12 =	vadd.f32 v3, v12  }
0x65: {  	v2 =	vld [tilespmem:s23+$0xFFFFFF90];
	v4 =	vadd.f32 v4, v6;
	v6 =	vadd.f32 v7, v8  }
0x66: {  	v3 =	vld [tilespmem:s23+$0xFFFFFFA0];
	v7 =	vadd.f32 v0, v11;
	v11 =	vadd.f32 v1, v12  }
0x67: {  	v12 =	vld [tilespmem:s23+$0xFFFFFF50];
	v5 =	vadd.f32 v5, v4;
	v9 =	vadd.f32 v9, v6  }
0x68: {  	v15 =	vld [tilespmem:s23+$0xFFFFFF60];
	v0 =	vmov v14  }
0x69: {  	v13 =	vld [tilespmem:s23+$0xFFFFFF10];
	v1 =	vmov v10  }
0x6a: {  	v10 =	vld [tilespmem:s23+$0xFFFFFF20]  }
0x6b: {  	v14 =	vld [tilespmem:s23+$0xFFFFFF30]  }
0x6c: {  	s22 =	sadd.s32 $0x4, s22;
	v16 =	vld [tilespmem:s23+$0xFFFFFF40]  }
0x6d: {  	p0 =	slt.u32 s22, $0xC4;
	v6 =	vld [tilespmem:s23+$0xFFFFFF70]  }
.Ltmp1:
0x6e: {  	v8 =	vld [tilespmem:s23+$0xFFFFFF80];
	(pc) =	sbr.rel @p0 .LBB2_5-.Ltmp1, $4  }
0x6f: {  	v4 =	vld [tilespmem:s23+$0xFFFFFFB0]  }
0x70: {  	v13 =	vadd.f32 v13, v7;
	v17 =	vadd.f32 v10, v11;
	v7 =	vld [tilespmem:s23+$0xFFFFFFC0]  }
0x71: {  	v11 =	vadd.f32 v14, v5;
	v10 =	vadd.f32 v16, v9;
	v5 =	vld [tilespmem:s23+$0xFFFFFFF0]  }
0x72: {  	v13 =	vadd.f32 v12, v13;
	v12 =	vadd.f32 v15, v17;
	v9 =	vld [tilespmem:s23+$0x0];
	s23 =	sadd.s32 $0x100, s23  }
0x73: {  	_ = 	snop  }
0x74: {  	v6 =	vadd.f32 v6, v11;
	v2 =	vadd.f32 v2, v13  }
0x75: {  	v8 =	vadd.f32 v8, v10;
	s20 =	sadd.s32 $0x1, s20;
	v3 =	vadd.f32 v3, v12  }
0x76: {  	p0 =	sne.s32 s20, $0x3F;
	v4 =	vadd.f32 v4, v6;
	v0 =	vadd.f32 v0, v2  }
.Ltmp2:
0x77: {  	v61 =	vadd.f32 v7, v8;
	v1 =	vadd.f32 v1, v3;
	(pc) =	sbr.rel @p0 .LBB2_2-.Ltmp2, $4  }
0x78: {  	v62 =	vadd.f32 v5, v4;
	[tilespmem:s21+$0xC840] =	vst v0  }
0x79: {  	v63 =	vadd.f32 v9, v61;
	[tilespmem:s21+$0xC850] =	vst v1  }
0x7a: {  	[tilespmem:s21+$0xC860] =	vst v62  }
0x7b: {  	[tilespmem:s21+$0xC870] =	vst v63  }
0x7c: {  	_ =	swait.ge [sflag:s16], $0x2000  }
0x7d: {  	[sflag:s16] =	ssyncset.done $0x0  }
0x7e: {  	[sflag:s16] =	ssyncadd.s32 $0xFFFFE000  }
0x7f: {  	_ =	swait.ge [sflag:s16], $0x1200  }
0x80: {  	[sflag:s16] =	ssyncset.done $0x0  }
0x81: {  	s21 =	simm.s32 $0x6480;
	[sflag:s16] =	ssyncadd.s32 $0xFFFFEE00  }
0x82: {  	v0 =	vld [tilespmem:s21+$0x40]  }
0x83: {  	v1 =	vld [tilespmem:s21+$0x50]  }
0x84: {  	v2 =	vld [tilespmem:s21+$0x0]  }
0x85: {  	v3 =	vld [tilespmem:s21+$0x10]  }
0x86: {  	v9 =	vld [tilespmem:s21+$0xFFFFFFC0]  }
0x87: {  	v12 =	vld [tilespmem:s21+$0xFFFFFFD0]  }
0x88: {  	v5 =	vld [tilespmem:s21+$0xFFFFFF80]  }
0x89: {  	v7 =	vld [tilespmem:s21+$0xFFFFFF90]  }
0x8a: {  	v10 =	vld [tilespmem:s21+$0xFFFFFFA0]  }
0x8b: {  	v13 =	vld [tilespmem:s21+$0xFFFFFFB0]  }
0x8c: {  	v6 =	vld [tilespmem:s21+$0xFFFFFFE0]  }
0x8d: {  	v8 =	vld [tilespmem:s21+$0xFFFFFFF0]  }
0x8e: {  	v14 =	vimm.f32 $0.0e+00;
	v4 =	vld [tilespmem:s21+$0x20]  }
0x8f: {  	v15 =	vadd.f32 v5, v14;
	v16 =	vadd.f32 v7, v14;
	v7 =	vld [tilespmem:s21+$0x30]  }
0x90: {  	v11 =	vadd.f32 v10, v14;
	v10 =	vadd.f32 v13, v14;
	v5 =	vld [tilespmem:s21+$0x60]  }
0x91: {  	s20 =	simm.s32 $0x0;
	v13 =	vadd.f32 v9, v15;
	v12 =	vadd.f32 v12, v16;
	v9 =	vld [tilespmem:s21+$0x70];
	s21 =	simm.s32 $0x6580  }
.LBB2_8:
0x92: {  	v14 =	vld [tilespmem:s21+$0x40];
	v6 =	vadd.f32 v6, v11;
	v8 =	vadd.f32 v8, v10  }
0x93: {  	v10 =	vld [tilespmem:s21+$0x50];
	v11 =	vadd.f32 v2, v13;
	v12 =	vadd.f32 v3, v12  }
0x94: {  	v2 =	vld [tilespmem:s21+$0x0];
	v4 =	vadd.f32 v4, v6;
	v6 =	vadd.f32 v7, v8  }
0x95: {  	v3 =	vld [tilespmem:s21+$0x10];
	v7 =	vadd.f32 v0, v11;
	v11 =	vadd.f32 v1, v12  }
0x96: {  	v12 =	vld [tilespmem:s21+$0xFFFFFFC0];
	v5 =	vadd.f32 v5, v4;
	v9 =	vadd.f32 v9, v6  }
0x97: {  	v15 =	vld [tilespmem:s21+$0xFFFFFFD0];
	v0 =	vmov v14  }
0x98: {  	v13 =	vld [tilespmem:s21+$0xFFFFFF80];
	v1 =	vmov v10  }
0x99: {  	v10 =	vld [tilespmem:s21+$0xFFFFFF90]  }
0x9a: {  	v14 =	vld [tilespmem:s21+$0xFFFFFFA0]  }
0x9b: {  	s20 =	sadd.s32 $0x4, s20;
	v16 =	vld [tilespmem:s21+$0xFFFFFFB0]  }
0x9c: {  	p0 =	slt.u32 s20, $0xC4;
	v6 =	vld [tilespmem:s21+$0xFFFFFFE0]  }
.Ltmp3:
0x9d: {  	v8 =	vld [tilespmem:s21+$0xFFFFFFF0];
	(pc) =	sbr.rel @p0 .LBB2_8-.Ltmp3, $4  }
0x9e: {  	v4 =	vld [tilespmem:s21+$0x20]  }
0x9f: {  	v13 =	vadd.f32 v13, v7;
	v17 =	vadd.f32 v10, v11;
	v7 =	vld [tilespmem:s21+$0x30]  }
0xa0: {  	v11 =	vadd.f32 v14, v5;
	v10 =	vadd.f32 v16, v9;
	v5 =	vld [tilespmem:s21+$0x60]  }
0xa1: {  	v13 =	vadd.f32 v12, v13;
	v12 =	vadd.f32 v15, v17;
	v9 =	vld [tilespmem:s21+$0x70];
	s21 =	sadd.s32 $0x100, s21  }
0xa2: {  	_ = 	snop  }
0xa3: {  	v6 =	vadd.f32 v6, v11;
	v2 =	vadd.f32 v2, v13  }
0xa4: {  	v8 =	vadd.f32 v8, v10;
	v3 =	vadd.f32 v3, v12  }
0xa5: {  	v4 =	vadd.f32 v4, v6;
	v0 =	vadd.f32 v0, v2  }
0xa6: {  	v2 =	vadd.f32 v7, v8;
	v1 =	vadd.f32 v1, v3  }
0xa7: {  	v3 =	vadd.f32 v5, v4;
	[tilespmem:$0xE780] =	vst v0  }
0xa8: {  	v0 =	vadd.f32 v9, v2;
	[tilespmem:$0xE790] =	vst v1  }
0xa9: {  	[tilespmem:$0xE7A0] =	vst v3  }
0xaa: {  	[tilespmem:$0xE7B0] =	vst v0  }
0xab: {  	_ =	swait.ge [sflag:s17], $0x2000  }
0xac: {  	[sflag:s17] =	ssyncset.done $0x0  }
0xad: {  	[sflag:s17] =	ssyncadd.s32 $0xFFFFE000  }
0xae: {  	_ =	swait.ge [sflag:s17], $0x1200  }
0xaf: {  	[sflag:s17] =	ssyncset.done $0x0  }
0xb0: {  	s21 =	simm.s32 $0x96F0;
	[sflag:s17] =	ssyncadd.s32 $0xFFFFEE00  }
0xb1: {  	v0 =	vld [tilespmem:s21+$0xFFFFFFD0]  }
0xb2: {  	v1 =	vld [tilespmem:s21+$0xFFFFFFE0]  }
0xb3: {  	v2 =	vld [tilespmem:s21+$0xFFFFFF90]  }
0xb4: {  	v3 =	vld [tilespmem:s21+$0xFFFFFFA0]  }
0xb5: {  	v9 =	vld [tilespmem:s21+$0xFFFFFF50]  }
0xb6: {  	v12 =	vld [tilespmem:s21+$0xFFFFFF60]  }
0xb7: {  	v5 =	vld [tilespmem:s21+$0xFFFFFF10]  }
0xb8: {  	v7 =	vld [tilespmem:s21+$0xFFFFFF20]  }
0xb9: {  	v10 =	vld [tilespmem:s21+$0xFFFFFF30]  }
0xba: {  	v13 =	vld [tilespmem:s21+$0xFFFFFF40]  }
0xbb: {  	v6 =	vld [tilespmem:s21+$0xFFFFFF70]  }
0xbc: {  	v8 =	vld [tilespmem:s21+$0xFFFFFF80]  }
0xbd: {  	v14 =	vimm.f32 $0.0e+00;
	v4 =	vld [tilespmem:s21+$0xFFFFFFB0]  }
0xbe: {  	v15 =	vadd.f32 v5, v14;
	v16 =	vadd.f32 v7, v14;
	v7 =	vld [tilespmem:s21+$0xFFFFFFC0]  }
0xbf: {  	v11 =	vadd.f32 v10, v14;
	v10 =	vadd.f32 v13, v14;
	v5 =	vld [tilespmem:s21+$0xFFFFFFF0]  }
0xc0: {  	s20 =	simm.s32 $0x0;
	v13 =	vadd.f32 v9, v15;
	v12 =	vadd.f32 v12, v16;
	v9 =	vld [tilespmem:s21+$0x0];
	s21 =	simm.s32 $0x97F0  }
.LBB2_10:
0xc1: {  	v14 =	vld [tilespmem:s21+$0xFFFFFFD0];
	v6 =	vadd.f32 v6, v11;
	v8 =	vadd.f32 v8, v10  }
0xc2: {  	v10 =	vld [tilespmem:s21+$0xFFFFFFE0];
	v11 =	vadd.f32 v2, v13;
	v12 =	vadd.f32 v3, v12  }
0xc3: {  	v2 =	vld [tilespmem:s21+$0xFFFFFF90];
	v4 =	vadd.f32 v4, v6;
	v6 =	vadd.f32 v7, v8  }
0xc4: {  	v3 =	vld [tilespmem:s21+$0xFFFFFFA0];
	v7 =	vadd.f32 v0, v11;
	v11 =	vadd.f32 v1, v12  }
0xc5: {  	v12 =	vld [tilespmem:s21+$0xFFFFFF50];
	v5 =	vadd.f32 v5, v4;
	v9 =	vadd.f32 v9, v6  }
0xc6: {  	v15 =	vld [tilespmem:s21+$0xFFFFFF60];
	v0 =	vmov v14  }
0xc7: {  	v13 =	vld [tilespmem:s21+$0xFFFFFF10];
	v1 =	vmov v10  }
0xc8: {  	v10 =	vld [tilespmem:s21+$0xFFFFFF20]  }
0xc9: {  	v14 =	vld [tilespmem:s21+$0xFFFFFF30]  }
0xca: {  	s20 =	sadd.s32 $0x4, s20;
	v16 =	vld [tilespmem:s21+$0xFFFFFF40]  }
0xcb: {  	p0 =	slt.u32 s20, $0xC4;
	v6 =	vld [tilespmem:s21+$0xFFFFFF70]  }
.Ltmp4:
0xcc: {  	v8 =	vld [tilespmem:s21+$0xFFFFFF80];
	(pc) =	sbr.rel @p0 .LBB2_10-.Ltmp4, $4  }
0xcd: {  	v4 =	vld [tilespmem:s21+$0xFFFFFFB0]  }
0xce: {  	v13 =	vadd.f32 v13, v7;
	v17 =	vadd.f32 v10, v11;
	v7 =	vld [tilespmem:s21+$0xFFFFFFC0]  }
0xcf: {  	v11 =	vadd.f32 v14, v5;
	v10 =	vadd.f32 v16, v9;
	v5 =	vld [tilespmem:s21+$0xFFFFFFF0]  }
0xd0: {  	v13 =	vadd.f32 v12, v13;
	v12 =	vadd.f32 v15, v17;
	v9 =	vld [tilespmem:s21+$0x0];
	s21 =	sadd.s32 $0x100, s21  }
0xd1: {  	_ = 	snop  }
0xd2: {  	v6 =	vadd.f32 v6, v11;
	v2 =	vadd.f32 v2, v13  }
0xd3: {  	v8 =	vadd.f32 v8, v10;
	v3 =	vadd.f32 v3, v12  }
0xd4: {  	v4 =	vadd.f32 v4, v6;
	v0 =	vadd.f32 v0, v2  }
0xd5: {  	v61 =	vadd.f32 v7, v8;
	v1 =	vadd.f32 v1, v3  }
0xd6: {  	v62 =	vadd.f32 v5, v4;
	[tilespmem:$0xE7C0] =	vst v0  }
0xd7: {  	s19 =	sadd.s32 $0x1, s19;
	v63 =	vadd.f32 v9, v61;
	[tilespmem:$0xE7D0] =	vst v1  }
0xd8: {  	p0 =	sne.s32 s19, s6;
	[tilespmem:$0xE7E0] =	vst v62  }
.Ltmp5:
0xd9: {  	[tilespmem:$0xE7F0] =	vst v63;
	(pc) =	sbr.rel @p0 .LBB2_1-.Ltmp5, $4  }
0xda: {  	[hbm4b:s5+s2] =	stream.linear.scatter [tilespmem:s18], [sflag:$0x3], $0x2000, $0x38;
	[tilespmem:$0xE800] =	vst v63  }
0xdb: {  	_ =	swait.ge [sflag:s7], $0x2000  }
0xdc: {  	[sflag:s7] =	ssyncset.done $0x0  }
0xdd: {  	[sflag:s7] =	ssyncadd.s32 $0xFFFFE000  }
0xde: {  	_ =	sfence.sel $0x180000  }
0xdf: {  	[bflag:$0x0] =	sbarrier.arrive $0xFFFF  }
0xe0: {  	p0 =	sne.s32 s0, $0x0;
	_ =	strace $0x90000047  }
0xe1: {  	s0 =	sadd.s32 @!p0 $0x100000, s1;
	[bflag:$0x2] =	sbarrier.arrive $0xFFFF  }
0xe2: {  	[sflag:s0] =	ssyncadd.tile.s32 @!p0 $0x1;
	_ =	shalt  }
.Lfunc_end2:
_tile_overlayer_lowered:
.L_overlay_start_2:
0xe3: {  	(tag) =	ssettag $0x2  }
0xe4: {  	s0 =	rddreg [dreg:$0x0];
	s2 =	stileid.u32  }
0xe5: {  	s1 =	rddreg [dreg:$0x1];
	p0 =	sne.s32 s2, $0x0  }
0xe6: {  	s3 =	rddreg [dreg:$0x2];
	[bflag:$0x3] =	sbarrier.arrive $0xFFFF;
	s2 =	simm.s32 @!p0 $0x1C03  }
0xe7: {  	[timem:s3], [sflag:s2] =	dma.local @!p0 [hbm:s0], s1  }
0xe8: {  	s0 =	simm.s32 @!p0 $0x3  }
0xe9: {  	_ =	swait.ge @!p0 [sflag:s0], s1  }
0xea: {  	s1 =	ssub.s32 @!p0 $0x0, s1;
	[sflag:s0] =	ssyncset.done @!p0 $0x0  }
0xeb: {  	[sflag:s0] =	ssyncadd.s32 @!p0 s1  }
0xec: {  	[bflag:$0x3] =	sbarrier.arrive $0xFFFF  }
0xed: {  	_ =	shalt  }

</sc_bundles>
